<compile_context>
chip_gen: v7x
topology: tpu7x:2x2x1
jax: 0.10.2.dev20260603
libtpu: 0.0.44.dev20260713+nightly
codegen_flags: <defaults>
</compile_context>

<pallas_src>
import jax
import jax.numpy as jnp
import numpy as np
from jax import lax
from jax.experimental import pallas as pl
from jax.experimental.pallas import tpu as pltpu
from jax.experimental.pallas import tpu_sc as plsc

N = 16384
D = 128
TSIZE = 512
STEP = 1.0 / (TSIZE - 1)
CLS_STRIDE = 1024
HW = 2 * CLS_STRIDE
NW = 32
PER = N // NW



def _cos_body(f0_ref, f1_ref, s_ref):
    f0 = f0_ref[...]
    f1 = f1_ref[...]
    num = jnp.sum(f0 * f1, axis=-1)
    n0 = jnp.sum(f0 * f0, axis=-1)
    n1 = jnp.sum(f1 * f1, axis=-1)
    den = jnp.sqrt(n0) * jnp.sqrt(n1) + 1e-8
    s_ref[...] = jnp.clip(num / den, 0.0, 1.0)


def _cosine(f0, f1):
    f0 = f0.reshape(128, 128, D)
    f1 = f1.reshape(128, 128, D)
    s = pl.pallas_call(
        _cos_body,
        grid=(4,),
        in_specs=[pl.BlockSpec((32, 128, D), lambda i: (i, 0, 0)),
                  pl.BlockSpec((32, 128, D), lambda i: (i, 0, 0))],
        out_specs=pl.BlockSpec((32, 128), lambda i: (i, 0)),
        out_shape=jax.ShapeDtypeStruct((128, 128), jnp.float32),
    )(f0, f1)
    return s.reshape(N)



def _hist_body(s_hbm, lab_hbm, out_hbm, s_v, lab_v, hist_v):
    wid = lax.axis_index("s") * 2 + lax.axis_index("c")
    base = wid * PER
    pltpu.sync_copy(s_hbm.at[pl.ds(base, PER)], s_v)
    pltpu.sync_copy(lab_hbm.at[pl.ds(base, PER)], lab_v)
    zeros = jnp.zeros((16,), jnp.float32)
    for k in range(HW // 16):
        hist_v[pl.ds(k * 16, 16)] = zeros
    for k in range(PER // 16):
        s16 = s_v[pl.ds(k * 16, 16)]
        lab16 = lab_v[pl.ds(k * 16, 16)]
        x = s16 / STEP
        bi = x.astype(jnp.int32)
        f = x - bi.astype(jnp.float32)
        idx_lo = lab16 * CLS_STRIDE + bi
        plsc.addupdate_scatter(hist_v, [idx_lo], 1.0 - f)
        plsc.addupdate_scatter(hist_v, [idx_lo + 1], f)
    pltpu.sync_copy(hist_v, out_hbm.at[wid])


def _histogram(s_flat, lab_i32):
    mesh = plsc.VectorSubcoreMesh(core_axis_name="c", subcore_axis_name="s")
    call = pl.kernel(
        _hist_body,
        out_type=jax.ShapeDtypeStruct((NW, HW), jnp.float32),
        scratch_types=[pltpu.VMEM((PER,), jnp.float32),
                       pltpu.VMEM((PER,), jnp.int32),
                       pltpu.VMEM((HW,), jnp.float32)],
        mesh=mesh,
        compiler_params=pltpu.CompilerParams(needs_layout_passes=False),
    )
    return call(s_flat, lab_i32)



def _loss_body(part_ref, lab_ref, out_ref):
    p = part_ref[...]
    hist = jnp.sum(p, axis=0)
    lab = lab_ref[...]
    posc = jnp.sum(lab.astype(jnp.float32))
    negc = np.float32(N) - posc
    hn = hist[0:TSIZE] / jnp.maximum(negc, 1.0)
    hp = hist[CLS_STRIDE:CLS_STRIDE + TSIZE] / jnp.maximum(posc, 1.0)
    hn2 = hn.reshape(1, TSIZE)
    hp2 = hp.reshape(1, TSIZE)
    row = lax.broadcasted_iota(jnp.int32, (TSIZE, TSIZE), 0)
    col = lax.broadcasted_iota(jnp.int32, (TSIZE, TSIZE), 1)
    tri = (col <= row).astype(jnp.float32)
    a = jnp.dot(hn2, tri, preferred_element_type=jnp.float32)
    out_ref[...] = jnp.sum(a * hp2).reshape(1, 1)


def _loss(partials, lab2d):
    out = pl.pallas_call(
        _loss_body,
        out_shape=jax.ShapeDtypeStruct((1, 1), jnp.float32),
    )(partials, lab2d)
    return out[0, 0]


def kernel(feat_t0, feat_t1, label):
    s_flat = _cosine(feat_t0, feat_t1)
    lab_i32 = label.astype(jnp.int32)
    partials = _histogram(s_flat, lab_i32)
    return _loss(partials, lab_i32.reshape(128, 128))

# --- scband reference (transcript-rebuilt; emitter-appended) ---
"""Pipeline reference for scband-sample-histogram-loss-32444182954401 (READ-ONLY COPY).

The authoritative reference and input builder live on the scoring server;
editing this copy changes nothing except your own understanding.
"""

import jax, jax.numpy as jnp
import numpy as np

NUM_STEPS = 512


def setup_inputs(seed: int = 0) -> dict:
    key = jax.random.key(seed)
    k0, k1, k2 = jax.random.split(key, 3)
    feat_t0 = jax.random.uniform(k0, (16384, 128), dtype=jnp.float32)
    feat_t1 = jax.random.uniform(k1, (16384, 128), dtype=jnp.float32)
    label = jax.random.randint(k2, (16384,), 0, 2, dtype=jnp.int64 if jax.config.jax_enable_x64 else jnp.int32)
    return {"feat_t0": feat_t0, "feat_t1": feat_t1, "label": label}


def reference(feat_t0, feat_t1, label):
    num_steps = NUM_STEPS
    step = 1.0 / (num_steps - 1)
    tsize = num_steps  # torch.range(0, 1, step) is end-inclusive -> num_steps points
    t = (jnp.arange(tsize, dtype=jnp.float32) * step)[:, None]  # [tsize, 1]

    # per-sample similarity in [0, 1] (cosine similarity of non-negative features)
    num = jnp.sum(feat_t0 * feat_t1, axis=1)
    den = jnp.linalg.norm(feat_t0, axis=1) * jnp.linalg.norm(feat_t1, axis=1) + 1e-8
    s = jnp.clip(num / den, 0.0, 1.0)  # [N]

    N = s.shape[0]
    s_repeat = jnp.broadcast_to(s[None, :], (tsize, N))  # [tsize, N]
    # bin index of each similarity; row index of each histogram node
    bin_idx = jnp.floor(s_repeat / step)  # delta_repeat = bin_idx * step
    row_idx = jnp.arange(tsize, dtype=jnp.float32)[:, None]

    pos_mask = jnp.broadcast_to((label == 1)[None, :], (tsize, N))
    neg_mask = jnp.broadcast_to((label == 0)[None, :], (tsize, N))
    pos_size = jnp.maximum(jnp.sum(label == 1).astype(jnp.float32), 1.0)
    neg_size = jnp.maximum(jnp.sum(label == 0).astype(jnp.float32), 1.0)

    def histogram(inds, size):
        # indsa: delta_repeat == t - step  <=>  bin_idx == row_idx - 1
        # indsb: delta_repeat == t         <=>  bin_idx == row_idx
        indsa = (bin_idx == (row_idx - 1.0)) & inds
        indsb = (bin_idx == row_idx) & inds
        contrib = jnp.where(indsa, (s_repeat - t + step) / step,
                            jnp.where(indsb, (-s_repeat + t + step) / step, 0.0))
        return jnp.sum(contrib, axis=1) / size

    hist_pos = histogram(pos_mask, pos_size)  # [tsize]
    hist_neg = histogram(neg_mask, neg_size)  # [tsize]
    hist_pos_cdf = jnp.cumsum(hist_pos)
    loss = jnp.sum(hist_neg * hist_pos_cdf)
    return loss

if __name__ == "__main__":
    import jax
    _d = setup_inputs()
    print(jax.jit(kernel)(*tuple(_d.values())))

</pallas_src>

<mosaic_0001>
#map = affine_map<(d0, d1) -> (0)>
#map1 = affine_map<(d0, d1) -> (0, 0)>
module attributes {stable_mosaic.version = 14 : i64} {
  func.func @_hist_body(%arg0: i32, %arg1: i32, %arg2: memref<16384xf32, #tpu.memory_space<hbm>>, %arg3: memref<16384xi32, #tpu.memory_space<hbm>>, %arg4: memref<32x2048xf32, #tpu.memory_space<hbm>>, %arg5: memref<512xf32, #tpu.memory_space<vmem>>, %arg6: memref<512xi32, #tpu.memory_space<vmem>>, %arg7: memref<2048xf32, #tpu.memory_space<vmem>>) attributes {dimension_semantics = [#tpu.dimension_semantics<core_parallel>, #tpu.dimension_semantics<subcore_parallel>], iteration_bounds = array<i64: 2, 16>, scalar_prefetch = 0 : i64, scratch_operands = 3 : i64, tpu.core_type = #tpu.core_type<sc_vector_subcore>, window_params = [{transform_indices = #map}, {transform_indices = #map}, {transform_indices = #map1}]} {
    %mul3A = arith.constant 2 : i32
    %mul3A_0 = arith.muli %arg1, %mul3A : i32
    %add3A = arith.addi %mul3A_0, %arg0 : i32
    %mul3A_1 = arith.constant 512 : i32
    %mul3A_2 = arith.muli %add3A, %mul3A_1 : i32
    "tpu.region"() ({
      %run_scoped3A = tpu.sem_alloc : memref<!tpu.dma_semaphore, #tpu.memory_space<semaphore_mem>>
      %dma_start3A = tpu.memref_slice %arg2[%mul3A_2] : memref<16384xf32, #tpu.memory_space<hbm>> -> memref<512xf32, #tpu.memory_space<hbm>>
      %dma_start3A_895 = tpu.memref_slice %arg2[%mul3A_2] : memref<16384xf32, #tpu.memory_space<hbm>> -> memref<512xf32, #tpu.memory_space<hbm>>
      tpu.enqueue_dma source(%dma_start3A_895 : memref<512xf32, #tpu.memory_space<hbm>>) target(%arg5 : memref<512xf32, #tpu.memory_space<vmem>>) target_semaphore(%run_scoped3A : memref<!tpu.dma_semaphore, #tpu.memory_space<semaphore_mem>>)
      %dma_wait3A = tpu.memref_slice %arg2[%mul3A_2] : memref<16384xf32, #tpu.memory_space<hbm>> -> memref<512xf32, #tpu.memory_space<hbm>>
      %dma_wait3A_896 = tpu.memref_slice %arg2[%mul3A_2] : memref<16384xf32, #tpu.memory_space<hbm>> -> memref<512xf32, #tpu.memory_space<hbm>>
      tpu.wait_dma2 semaphore(%run_scoped3A : memref<!tpu.dma_semaphore, #tpu.memory_space<semaphore_mem>>) src(%dma_wait3A_896 : memref<512xf32, #tpu.memory_space<hbm>>) dst(%arg5 : memref<512xf32, #tpu.memory_space<vmem>>)
      tpu.yield
    }) : () -> ()
    "tpu.region"() ({
      %run_scoped3A = tpu.sem_alloc : memref<!tpu.dma_semaphore, #tpu.memory_space<semaphore_mem>>
      %dma_start3A = tpu.memref_slice %arg3[%mul3A_2] : memref<16384xi32, #tpu.memory_space<hbm>> -> memref<512xi32, #tpu.memory_space<hbm>>
      %dma_start3A_895 = tpu.memref_slice %arg3[%mul3A_2] : memref<16384xi32, #tpu.memory_space<hbm>> -> memref<512xi32, #tpu.memory_space<hbm>>
      tpu.enqueue_dma source(%dma_start3A_895 : memref<512xi32, #tpu.memory_space<hbm>>) target(%arg6 : memref<512xi32, #tpu.memory_space<vmem>>) target_semaphore(%run_scoped3A : memref<!tpu.dma_semaphore, #tpu.memory_space<semaphore_mem>>)
      %dma_wait3A = tpu.memref_slice %arg3[%mul3A_2] : memref<16384xi32, #tpu.memory_space<hbm>> -> memref<512xi32, #tpu.memory_space<hbm>>
      %dma_wait3A_896 = tpu.memref_slice %arg3[%mul3A_2] : memref<16384xi32, #tpu.memory_space<hbm>> -> memref<512xi32, #tpu.memory_space<hbm>>
      tpu.wait_dma2 semaphore(%run_scoped3A : memref<!tpu.dma_semaphore, #tpu.memory_space<semaphore_mem>>) src(%dma_wait3A_896 : memref<512xi32, #tpu.memory_space<hbm>>) dst(%arg6 : memref<512xi32, #tpu.memory_space<vmem>>)
      tpu.yield
    }) : () -> ()
    %broadcast_in_dim3A = arith.constant 0.000000e+00 : f32
    %broadcast_in_dim3A_3 = vector.broadcast %broadcast_in_dim3A : f32 to vector<16xf32>
    %swap3A = arith.constant 0 : index
    %swap3A_4 = tpu.vector_load %arg7[%swap3A] {strides = array<i32>} : memref<2048xf32, #tpu.memory_space<vmem>>, vector<16xf32>,
    tpu.vector_store %arg7[%swap3A], %broadcast_in_dim3A_3 {strides = array<i32>} : memref<2048xf32, #tpu.memory_space<vmem>>, vector<16xf32>,
    %swap3A_5 = arith.constant 16 : index
    %swap3A_6 = tpu.vector_load %arg7[%swap3A_5] {strides = array<i32>} : memref<2048xf32, #tpu.memory_space<vmem>>, vector<16xf32>,
    tpu.vector_store %arg7[%swap3A_5], %broadcast_in_dim3A_3 {strides = array<i32>} : memref<2048xf32, #tpu.memory_space<vmem>>, vector<16xf32>,
    %swap3A_7 = arith.constant 32 : index
    %swap3A_8 = tpu.vector_load %arg7[%swap3A_7] {strides = array<i32>} : memref<2048xf32, #tpu.memory_space<vmem>>, vector<16xf32>,
    tpu.vector_store %arg7[%swap3A_7], %broadcast_in_dim3A_3 {strides = array<i32>} : memref<2048xf32, #tpu.memory_space<vmem>>, vector<16xf32>,
    %swap3A_9 = arith.constant 48 : index
    %swap3A_10 = tpu.vector_load %arg7[%swap3A_9] {strides = array<i32>} : memref<2048xf32, #tpu.memory_space<vmem>>, vector<16xf32>,
    tpu.vector_store %arg7[%swap3A_9], %broadcast_in_dim3A_3 {strides = array<i32>} : memref<2048xf32, #tpu.memory_space<vmem>>, vector<16xf32>,
    %swap3A_11 = arith.constant 64 : index
    %swap3A_12 = tpu.vector_load %arg7[%swap3A_11] {strides = array<i32>} : memref<2048xf32, #tpu.memory_space<vmem>>, vector<16xf32>,
    tpu.vector_store %arg7[%swap3A_11], %broadcast_in_dim3A_3 {strides = array<i32>} : memref<2048xf32, #tpu.memory_space<vmem>>, vector<16xf32>,
    %swap3A_13 = arith.constant 80 : index
    %swap3A_14 = tpu.vector_load %arg7[%swap3A_13] {strides = array<i32>} : memref<2048xf32, #tpu.memory_space<vmem>>, vector<16xf32>,
    tpu.vector_store %arg7[%swap3A_13], %broadcast_in_dim3A_3 {strides = array<i32>} : memref<2048xf32, #tpu.memory_space<vmem>>, vector<16xf32>,
    %swap3A_15 = arith.constant 96 : index
    %swap3A_16 = tpu.vector_load %arg7[%swap3A_15] {strides = array<i32>} : memref<2048xf32, #tpu.memory_space<vmem>>, vector<16xf32>,
    tpu.vector_store %arg7[%swap3A_15], %broadcast_in_dim3A_3 {strides = array<i32>} : memref<2048xf32, #tpu.memory_space<vmem>>, vector<16xf32>,
    %swap3A_17 = arith.constant 112 : index
    %swap3A_18 = tpu.vector_load %arg7[%swap3A_17] {strides = array<i32>} : memref<2048xf32, #tpu.memory_space<vmem>>, vector<16xf32>,
    tpu.vector_store %arg7[%swap3A_17], %broadcast_in_dim3A_3 {strides = array<i32>} : memref<2048xf32, #tpu.memory_space<vmem>>, vector<16xf32>,
    %swap3A_19 = arith.constant 128 : index
    %swap3A_20 = tpu.vector_load %arg7[%swap3A_19] {strides = array<i32>} : memref<2048xf32, #tpu.memory_space<vmem>>, vector<16xf32>,
    tpu.vector_store %arg7[%swap3A_19], %broadcast_in_dim3A_3 {strides = array<i32>} : memref<2048xf32, #tpu.memory_space<vmem>>, vector<16xf32>,
    %swap3A_21 = arith.constant 144 : index
    %swap3A_22 = tpu.vector_load %arg7[%swap3A_21] {strides = array<i32>} : memref<2048xf32, #tpu.memory_space<vmem>>, vector<16xf32>,
    tpu.vector_store %arg7[%swap3A_21], %broadcast_in_dim3A_3 {strides = array<i32>} : memref<2048xf32, #tpu.memory_space<vmem>>, vector<16xf32>,
    %swap3A_23 = arith.constant 160 : index
    %swap3A_24 = tpu.vector_load %arg7[%swap3A_23] {strides = array<i32>} : memref<2048xf32, #tpu.memory_space<vmem>>, vector<16xf32>,
    tpu.vector_store %arg7[%swap3A_23], %broadcast_in_dim3A_3 {strides = array<i32>} : memref<2048xf32, #tpu.memory_space<vmem>>, vector<16xf32>,
    %swap3A_25 = arith.constant 176 : index
    %swap3A_26 = tpu.vector_load %arg7[%swap3A_25] {strides = array<i32>} : memref<2048xf32, #tpu.memory_space<vmem>>, vector<16xf32>,
    tpu.vector_store %arg7[%swap3A_25], %broadcast_in_dim3A_3 {strides = array<i32>} : memref<2048xf32, #tpu.memory_space<vmem>>, vector<16xf32>,
    %swap3A_27 = arith.constant 192 : index
    %swap3A_28 = tpu.vector_load %arg7[%swap3A_27] {strides = array<i32>} : memref<2048xf32, #tpu.memory_space<vmem>>, vector<16xf32>,
    tpu.vector_store %arg7[%swap3A_27], %broadcast_in_dim3A_3 {strides = array<i32>} : memref<2048xf32, #tpu.memory_space<vmem>>, vector<16xf32>,
    %swap3A_29 = arith.constant 208 : index
    %swap3A_30 = tpu.vector_load %arg7[%swap3A_29] {strides = array<i32>} : memref<2048xf32, #tpu.memory_space<vmem>>, vector<16xf32>,
    tpu.vector_store %arg7[%swap3A_29], %broadcast_in_dim3A_3 {strides = array<i32>} : memref<2048xf32, #tpu.memory_space<vmem>>, vector<16xf32>,
    %swap3A_31 = arith.constant 224 : index
    %swap3A_32 = tpu.vector_load %arg7[%swap3A_31] {strides = array<i32>} : memref<2048xf32, #tpu.memory_space<vmem>>, vector<16xf32>,
    tpu.vector_store %arg7[%swap3A_31], %broadcast_in_dim3A_3 {strides = array<i32>} : memref<2048xf32, #tpu.memory_space<vmem>>, vector<16xf32>,
    %swap3A_33 = arith.constant 240 : index
    %swap3A_34 = tpu.vector_load %arg7[%swap3A_33] {strides = array<i32>} : memref<2048xf32, #tpu.memory_space<vmem>>, vector<16xf32>,
    tpu.vector_store %arg7[%swap3A_33], %broadcast_in_dim3A_3 {strides = array<i32>} : memref<2048xf32, #tpu.memory_space<vmem>>, vector<16xf32>,
    %swap3A_35 = arith.constant 256 : index
    %swap3A_36 = tpu.vector_load %arg7[%swap3A_35] {strides = array<i32>} : memref<2048xf32, #tpu.memory_space<vmem>>, vector<16xf32>,
    tpu.vector_store %arg7[%swap3A_35], %broadcast_in_dim3A_3 {strides = array<i32>} : memref<2048xf32, #tpu.memory_space<vmem>>, vector<16xf32>,
    %swap3A_37 = arith.constant 272 : index
    %swap3A_38 = tpu.vector_load %arg7[%swap3A_37] {strides = array<i32>} : memref<2048xf32, #tpu.memory_space<vmem>>, vector<16xf32>,
    tpu.vector_store %arg7[%swap3A_37], %broadcast_in_dim3A_3 {strides = array<i32>} : memref<2048xf32, #tpu.memory_space<vmem>>, vector<16xf32>,
    %swap3A_39 = arith.constant 288 : index
    %swap3A_40 = tpu.vector_load %arg7[%swap3A_39] {strides = array<i32>} : memref<2048xf32, #tpu.memory_space<vmem>>, vector<16xf32>,
    tpu.vector_store %arg7[%swap3A_39], %broadcast_in_dim3A_3 {strides = array<i32>} : memref<2048xf32, #tpu.memory_space<vmem>>, vector<16xf32>,
    %swap3A_41 = arith.constant 304 : index
    %swap3A_42 = tpu.vector_load %arg7[%swap3A_41] {strides = array<i32>} : memref<2048xf32, #tpu.memory_space<vmem>>, vector<16xf32>,
    tpu.vector_store %arg7[%swap3A_41], %broadcast_in_dim3A_3 {strides = array<i32>} : memref<2048xf32, #tpu.memory_space<vmem>>, vector<16xf32>,
    %swap3A_43 = arith.constant 320 : index
    %swap3A_44 = tpu.vector_load %arg7[%swap3A_43] {strides = array<i32>} : memref<2048xf32, #tpu.memory_space<vmem>>, vector<16xf32>,
    tpu.vector_store %arg7[%swap3A_43], %broadcast_in_dim3A_3 {strides = array<i32>} : memref<2048xf32, #tpu.memory_space<vmem>>, vector<16xf32>,
    %swap3A_45 = arith.constant 336 : index
    %swap3A_46 = tpu.vector_load %arg7[%swap3A_45] {strides = array<i32>} : memref<2048xf32, #tpu.memory_space<vmem>>, vector<16xf32>,
    tpu.vector_store %arg7[%swap3A_45], %broadcast_in_dim3A_3 {strides = array<i32>} : memref<2048xf32, #tpu.memory_space<vmem>>, vector<16xf32>,
    %swap3A_47 = arith.constant 352 : index
    %swap3A_48 = tpu.vector_load %arg7[%swap3A_47] {strides = array<i32>} : memref<2048xf32, #tpu.memory_space<vmem>>, vector<16xf32>,
    tpu.vector_store %arg7[%swap3A_47], %broadcast_in_dim3A_3 {strides = array<i32>} : memref<2048xf32, #tpu.memory_space<vmem>>, vector<16xf32>,
    %swap3A_49 = arith.constant 368 : index
    %swap3A_50 = tpu.vector_load %arg7[%swap3A_49] {strides = array<i32>} : memref<2048xf32, #tpu.memory_space<vmem>>, vector<16xf32>,
    tpu.vector_store %arg7[%swap3A_49], %broadcast_in_dim3A_3 {strides = array<i32>} : memref<2048xf32, #tpu.memory_space<vmem>>, vector<16xf32>,
    %swap3A_51 = arith.constant 384 : index
    %swap3A_52 = tpu.vector_load %arg7[%swap3A_51] {strides = array<i32>} : memref<2048xf32, #tpu.memory_space<vmem>>, vector<16xf32>,
    tpu.vector_store %arg7[%swap3A_51], %broadcast_in_dim3A_3 {strides = array<i32>} : memref<2048xf32, #tpu.memory_space<vmem>>, vector<16xf32>,
    %swap3A_53 = arith.constant 400 : index
    %swap3A_54 = tpu.vector_load %arg7[%swap3A_53] {strides = array<i32>} : memref<2048xf32, #tpu.memory_space<vmem>>, vector<16xf32>,
    tpu.vector_store %arg7[%swap3A_53], %broadcast_in_dim3A_3 {strides = array<i32>} : memref<2048xf32, #tpu.memory_space<vmem>>, vector<16xf32>,
    %swap3A_55 = arith.constant 416 : index
    %swap3A_56 = tpu.vector_load %arg7[%swap3A_55] {strides = array<i32>} : memref<2048xf32, #tpu.memory_space<vmem>>, vector<16xf32>,
    tpu.vector_store %arg7[%swap3A_55], %broadcast_in_dim3A_3 {strides = array<i32>} : memref<2048xf32, #tpu.memory_space<vmem>>, vector<16xf32>,
    %swap3A_57 = arith.constant 432 : index
    %swap3A_58 = tpu.vector_load %arg7[%swap3A_57] {strides = array<i32>} : memref<2048xf32, #tpu.memory_space<vmem>>, vector<16xf32>,
    tpu.vector_store %arg7[%swap3A_57], %broadcast_in_dim3A_3 {strides = array<i32>} : memref<2048xf32, #tpu.memory_space<vmem>>, vector<16xf32>,
    %swap3A_59 = arith.constant 448 : index
    %swap3A_60 = tpu.vector_load %arg7[%swap3A_59] {strides = array<i32>} : memref<2048xf32, #tpu.memory_space<vmem>>, vector<16xf32>,
    tpu.vector_store %arg7[%swap3A_59], %broadcast_in_dim3A_3 {strides = array<i32>} : memref<2048xf32, #tpu.memory_space<vmem>>, vector<16xf32>,
    %swap3A_61 = arith.constant 464 : index
    %swap3A_62 = tpu.vector_load %arg7[%swap3A_61] {strides = array<i32>} : memref<2048xf32, #tpu.memory_space<vmem>>, vector<16xf32>,
    tpu.vector_store %arg7[%swap3A_61], %broadcast_in_dim3A_3 {strides = array<i32>} : memref<2048xf32, #tpu.memory_space<vmem>>, vector<16xf32>,
    %swap3A_63 = arith.constant 480 : index
    %swap3A_64 = tpu.vector_load %arg7[%swap3A_63] {strides = array<i32>} : memref<2048xf32, #tpu.memory_space<vmem>>, vector<16xf32>,
    tpu.vector_store %arg7[%swap3A_63], %broadcast_in_dim3A_3 {strides = array<i32>} : memref<2048xf32, #tpu.memory_space<vmem>>, vector<16xf32>,
    %swap3A_65 = arith.constant 496 : index
    %swap3A_66 = tpu.vector_load %arg7[%swap3A_65] {strides = array<i32>} : memref<2048xf32, #tpu.memory_space<vmem>>, vector<16xf32>,
    tpu.vector_store %arg7[%swap3A_65], %broadcast_in_dim3A_3 {strides = array<i32>} : memref<2048xf32, #tpu.memory_space<vmem>>, vector<16xf32>,
    %swap3A_67 = arith.constant 512 : index
    %swap3A_68 = tpu.vector_load %arg7[%swap3A_67] {strides = array<i32>} : memref<2048xf32, #tpu.memory_space<vmem>>, vector<16xf32>,
    tpu.vector_store %arg7[%swap3A_67], %broadcast_in_dim3A_3 {strides = array<i32>} : memref<2048xf32, #tpu.memory_space<vmem>>, vector<16xf32>,
    %swap3A_69 = arith.constant 528 : index
    %swap3A_70 = tpu.vector_load %arg7[%swap3A_69] {strides = array<i32>} : memref<2048xf32, #tpu.memory_space<vmem>>, vector<16xf32>,
    tpu.vector_store %arg7[%swap3A_69], %broadcast_in_dim3A_3 {strides = array<i32>} : memref<2048xf32, #tpu.memory_space<vmem>>, vector<16xf32>,
    %swap3A_71 = arith.constant 544 : index
    %swap3A_72 = tpu.vector_load %arg7[%swap3A_71] {strides = array<i32>} : memref<2048xf32, #tpu.memory_space<vmem>>, vector<16xf32>,
    tpu.vector_store %arg7[%swap3A_71], %broadcast_in_dim3A_3 {strides = array<i32>} : memref<2048xf32, #tpu.memory_space<vmem>>, vector<16xf32>,
    %swap3A_73 = arith.constant 560 : index
    %swap3A_74 = tpu.vector_load %arg7[%swap3A_73] {strides = array<i32>} : memref<2048xf32, #tpu.memory_space<vmem>>, vector<16xf32>,
    tpu.vector_store %arg7[%swap3A_73], %broadcast_in_dim3A_3 {strides = array<i32>} : memref<2048xf32, #tpu.memory_space<vmem>>, vector<16xf32>,
    %swap3A_75 = arith.constant 576 : index
    %swap3A_76 = tpu.vector_load %arg7[%swap3A_75] {strides = array<i32>} : memref<2048xf32, #tpu.memory_space<vmem>>, vector<16xf32>,
    tpu.vector_store %arg7[%swap3A_75], %broadcast_in_dim3A_3 {strides = array<i32>} : memref<2048xf32, #tpu.memory_space<vmem>>, vector<16xf32>,
    %swap3A_77 = arith.constant 592 : index
    %swap3A_78 = tpu.vector_load %arg7[%swap3A_77] {strides = array<i32>} : memref<2048xf32, #tpu.memory_space<vmem>>, vector<16xf32>,
    tpu.vector_store %arg7[%swap3A_77], %broadcast_in_dim3A_3 {strides = array<i32>} : memref<2048xf32, #tpu.memory_space<vmem>>, vector<16xf32>,
    %swap3A_79 = arith.constant 608 : index
    %swap3A_80 = tpu.vector_load %arg7[%swap3A_79] {strides = array<i32>} : memref<2048xf32, #tpu.memory_space<vmem>>, vector<16xf32>,
    tpu.vector_store %arg7[%swap3A_79], %broadcast_in_dim3A_3 {strides = array<i32>} : memref<2048xf32, #tpu.memory_space<vmem>>, vector<16xf32>,
    %swap3A_81 = arith.constant 624 : index
    %swap3A_82 = tpu.vector_load %arg7[%swap3A_81] {strides = array<i32>} : memref<2048xf32, #tpu.memory_space<vmem>>, vector<16xf32>,
    tpu.vector_store %arg7[%swap3A_81], %broadcast_in_dim3A_3 {strides = array<i32>} : memref<2048xf32, #tpu.memory_space<vmem>>, vector<16xf32>,
    %swap3A_83 = arith.constant 640 : index
    %swap3A_84 = tpu.vector_load %arg7[%swap3A_83] {strides = array<i32>} : memref<2048xf32, #tpu.memory_space<vmem>>, vector<16xf32>,
    tpu.vector_store %arg7[%swap3A_83], %broadcast_in_dim3A_3 {strides = array<i32>} : memref<2048xf32, #tpu.memory_space<vmem>>, vector<16xf32>,
    %swap3A_85 = arith.constant 656 : index
    %swap3A_86 = tpu.vector_load %arg7[%swap3A_85] {strides = array<i32>} : memref<2048xf32, #tpu.memory_space<vmem>>, vector<16xf32>,
    tpu.vector_store %arg7[%swap3A_85], %broadcast_in_dim3A_3 {strides = array<i32>} : memref<2048xf32, #tpu.memory_space<vmem>>, vector<16xf32>,
    %swap3A_87 = arith.constant 672 : index
    %swap3A_88 = tpu.vector_load %arg7[%swap3A_87] {strides = array<i32>} : memref<2048xf32, #tpu.memory_space<vmem>>, vector<16xf32>,
    tpu.vector_store %arg7[%swap3A_87], %broadcast_in_dim3A_3 {strides = array<i32>} : memref<2048xf32, #tpu.memory_space<vmem>>, vector<16xf32>,
    %swap3A_89 = arith.constant 688 : index
    %swap3A_90 = tpu.vector_load %arg7[%swap3A_89] {strides = array<i32>} : memref<2048xf32, #tpu.memory_space<vmem>>, vector<16xf32>,
    tpu.vector_store %arg7[%swap3A_89], %broadcast_in_dim3A_3 {strides = array<i32>} : memref<2048xf32, #tpu.memory_space<vmem>>, vector<16xf32>,
    %swap3A_91 = arith.constant 704 : index
    %swap3A_92 = tpu.vector_load %arg7[%swap3A_91] {strides = array<i32>} : memref<2048xf32, #tpu.memory_space<vmem>>, vector<16xf32>,
    tpu.vector_store %arg7[%swap3A_91], %broadcast_in_dim3A_3 {strides = array<i32>} : memref<2048xf32, #tpu.memory_space<vmem>>, vector<16xf32>,
    %swap3A_93 = arith.constant 720 : index
    %swap3A_94 = tpu.vector_load %arg7[%swap3A_93] {strides = array<i32>} : memref<2048xf32, #tpu.memory_space<vmem>>, vector<16xf32>,
    tpu.vector_store %arg7[%swap3A_93], %broadcast_in_dim3A_3 {strides = array<i32>} : memref<2048xf32, #tpu.memory_space<vmem>>, vector<16xf32>,
    %swap3A_95 = arith.constant 736 : index
    %swap3A_96 = tpu.vector_load %arg7[%swap3A_95] {strides = array<i32>} : memref<2048xf32, #tpu.memory_space<vmem>>, vector<16xf32>,
    tpu.vector_store %arg7[%swap3A_95], %broadcast_in_dim3A_3 {strides = array<i32>} : memref<2048xf32, #tpu.memory_space<vmem>>, vector<16xf32>,
    %swap3A_97 = arith.constant 752 : index
    %swap3A_98 = tpu.vector_load %arg7[%swap3A_97] {strides = array<i32>} : memref<2048xf32, #tpu.memory_space<vmem>>, vector<16xf32>,
    tpu.vector_store %arg7[%swap3A_97], %broadcast_in_dim3A_3 {strides = array<i32>} : memref<2048xf32, #tpu.memory_space<vmem>>, vector<16xf32>,
    %swap3A_99 = arith.constant 768 : index
    %swap3A_100 = tpu.vector_load %arg7[%swap3A_99] {strides = array<i32>} : memref<2048xf32, #tpu.memory_space<vmem>>, vector<16xf32>,
    tpu.vector_store %arg7[%swap3A_99], %broadcast_in_dim3A_3 {strides = array<i32>} : memref<2048xf32, #tpu.memory_space<vmem>>, vector<16xf32>,
    %swap3A_101 = arith.constant 784 : index
    %swap3A_102 = tpu.vector_load %arg7[%swap3A_101] {strides = array<i32>} : memref<2048xf32, #tpu.memory_space<vmem>>, vector<16xf32>,
    tpu.vector_store %arg7[%swap3A_101], %broadcast_in_dim3A_3 {strides = array<i32>} : memref<2048xf32, #tpu.memory_space<vmem>>, vector<16xf32>,
    %swap3A_103 = arith.constant 800 : index
    %swap3A_104 = tpu.vector_load %arg7[%swap3A_103] {strides = array<i32>} : memref<2048xf32, #tpu.memory_space<vmem>>, vector<16xf32>,
    tpu.vector_store %arg7[%swap3A_103], %broadcast_in_dim3A_3 {strides = array<i32>} : memref<2048xf32, #tpu.memory_space<vmem>>, vector<16xf32>,
    %swap3A_105 = arith.constant 816 : index
    %swap3A_106 = tpu.vector_load %arg7[%swap3A_105] {strides = array<i32>} : memref<2048xf32, #tpu.memory_space<vmem>>, vector<16xf32>,
    tpu.vector_store %arg7[%swap3A_105], %broadcast_in_dim3A_3 {strides = array<i32>} : memref<2048xf32, #tpu.memory_space<vmem>>, vector<16xf32>,
    %swap3A_107 = arith.constant 832 : index
    %swap3A_108 = tpu.vector_load %arg7[%swap3A_107] {strides = array<i32>} : memref<2048xf32, #tpu.memory_space<vmem>>, vector<16xf32>,
    tpu.vector_store %arg7[%swap3A_107], %broadcast_in_dim3A_3 {strides = array<i32>} : memref<2048xf32, #tpu.memory_space<vmem>>, vector<16xf32>,
    %swap3A_109 = arith.constant 848 : index
    %swap3A_110 = tpu.vector_load %arg7[%swap3A_109] {strides = array<i32>} : memref<2048xf32, #tpu.memory_space<vmem>>, vector<16xf32>,
    tpu.vector_store %arg7[%swap3A_109], %broadcast_in_dim3A_3 {strides = array<i32>} : memref<2048xf32, #tpu.memory_space<vmem>>, vector<16xf32>,
    %swap3A_111 = arith.constant 864 : index
    %swap3A_112 = tpu.vector_load %arg7[%swap3A_111] {strides = array<i32>} : memref<2048xf32, #tpu.memory_space<vmem>>, vector<16xf32>,
    tpu.vector_store %arg7[%swap3A_111], %broadcast_in_dim3A_3 {strides = array<i32>} : memref<2048xf32, #tpu.memory_space<vmem>>, vector<16xf32>,
    %swap3A_113 = arith.constant 880 : index
    %swap3A_114 = tpu.vector_load %arg7[%swap3A_113] {strides = array<i32>} : memref<2048xf32, #tpu.memory_space<vmem>>, vector<16xf32>,
    tpu.vector_store %arg7[%swap3A_113], %broadcast_in_dim3A_3 {strides = array<i32>} : memref<2048xf32, #tpu.memory_space<vmem>>, vector<16xf32>,
    %swap3A_115 = arith.constant 896 : index
    %swap3A_116 = tpu.vector_load %arg7[%swap3A_115] {strides = array<i32>} : memref<2048xf32, #tpu.memory_space<vmem>>, vector<16xf32>,
    tpu.vector_store %arg7[%swap3A_115], %broadcast_in_dim3A_3 {strides = array<i32>} : memref<2048xf32, #tpu.memory_space<vmem>>, vector<16xf32>,
    %swap3A_117 = arith.constant 912 : index
    %swap3A_118 = tpu.vector_load %arg7[%swap3A_117] {strides = array<i32>} : memref<2048xf32, #tpu.memory_space<vmem>>, vector<16xf32>,
    tpu.vector_store %arg7[%swap3A_117], %broadcast_in_dim3A_3 {strides = array<i32>} : memref<2048xf32, #tpu.memory_space<vmem>>, vector<16xf32>,
    %swap3A_119 = arith.constant 928 : index
    %swap3A_120 = tpu.vector_load %arg7[%swap3A_119] {strides = array<i32>} : memref<2048xf32, #tpu.memory_space<vmem>>, vector<16xf32>,
    tpu.vector_store %arg7[%swap3A_119], %broadcast_in_dim3A_3 {strides = array<i32>} : memref<2048xf32, #tpu.memory_space<vmem>>, vector<16xf32>,
    %swap3A_121 = arith.constant 944 : index
    %swap3A_122 = tpu.vector_load %arg7[%swap3A_121] {strides = array<i32>} : memref<2048xf32, #tpu.memory_space<vmem>>, vector<16xf32>,
    tpu.vector_store %arg7[%swap3A_121], %broadcast_in_dim3A_3 {strides = array<i32>} : memref<2048xf32, #tpu.memory_space<vmem>>, vector<16xf32>,
    %swap3A_123 = arith.constant 960 : index
    %swap3A_124 = tpu.vector_load %arg7[%swap3A_123] {strides = array<i32>} : memref<2048xf32, #tpu.memory_space<vmem>>, vector<16xf32>,
    tpu.vector_store %arg7[%swap3A_123], %broadcast_in_dim3A_3 {strides = array<i32>} : memref<2048xf32, #tpu.memory_space<vmem>>, vector<16xf32>,
    %swap3A_125 = arith.constant 976 : index
    %swap3A_126 = tpu.vector_load %arg7[%swap3A_125] {strides = array<i32>} : memref<2048xf32, #tpu.memory_space<vmem>>, vector<16xf32>,
    tpu.vector_store %arg7[%swap3A_125], %broadcast_in_dim3A_3 {strides = array<i32>} : memref<2048xf32, #tpu.memory_space<vmem>>, vector<16xf32>,
    %swap3A_127 = arith.constant 992 : index
    %swap3A_128 = tpu.vector_load %arg7[%swap3A_127] {strides = array<i32>} : memref<2048xf32, #tpu.memory_space<vmem>>, vector<16xf32>,
    tpu.vector_store %arg7[%swap3A_127], %broadcast_in_dim3A_3 {strides = array<i32>} : memref<2048xf32, #tpu.memory_space<vmem>>, vector<16xf32>,
    %swap3A_129 = arith.constant 1008 : index
    %swap3A_130 = tpu.vector_load %arg7[%swap3A_129] {strides = array<i32>} : memref<2048xf32, #tpu.memory_space<vmem>>, vector<16xf32>,
    tpu.vector_store %arg7[%swap3A_129], %broadcast_in_dim3A_3 {strides = array<i32>} : memref<2048xf32, #tpu.memory_space<vmem>>, vector<16xf32>,
    %swap3A_131 = arith.constant 1024 : index
    %swap3A_132 = tpu.vector_load %arg7[%swap3A_131] {strides = array<i32>} : memref<2048xf32, #tpu.memory_space<vmem>>, vector<16xf32>,
    tpu.vector_store %arg7[%swap3A_131], %broadcast_in_dim3A_3 {strides = array<i32>} : memref<2048xf32, #tpu.memory_space<vmem>>, vector<16xf32>,
    %swap3A_133 = arith.constant 1040 : index
    %swap3A_134 = tpu.vector_load %arg7[%swap3A_133] {strides = array<i32>} : memref<2048xf32, #tpu.memory_space<vmem>>, vector<16xf32>,
    tpu.vector_store %arg7[%swap3A_133], %broadcast_in_dim3A_3 {strides = array<i32>} : memref<2048xf32, #tpu.memory_space<vmem>>, vector<16xf32>,
    %swap3A_135 = arith.constant 1056 : index
    %swap3A_136 = tpu.vector_load %arg7[%swap3A_135] {strides = array<i32>} : memref<2048xf32, #tpu.memory_space<vmem>>, vector<16xf32>,
    tpu.vector_store %arg7[%swap3A_135], %broadcast_in_dim3A_3 {strides = array<i32>} : memref<2048xf32, #tpu.memory_space<vmem>>, vector<16xf32>,
    %swap3A_137 = arith.constant 1072 : index
    %swap3A_138 = tpu.vector_load %arg7[%swap3A_137] {strides = array<i32>} : memref<2048xf32, #tpu.memory_space<vmem>>, vector<16xf32>,
    tpu.vector_store %arg7[%swap3A_137], %broadcast_in_dim3A_3 {strides = array<i32>} : memref<2048xf32, #tpu.memory_space<vmem>>, vector<16xf32>,
    %swap3A_139 = arith.constant 1088 : index
    %swap3A_140 = tpu.vector_load %arg7[%swap3A_139] {strides = array<i32>} : memref<2048xf32, #tpu.memory_space<vmem>>, vector<16xf32>,
    tpu.vector_store %arg7[%swap3A_139], %broadcast_in_dim3A_3 {strides = array<i32>} : memref<2048xf32, #tpu.memory_space<vmem>>, vector<16xf32>,
    %swap3A_141 = arith.constant 1104 : index
    %swap3A_142 = tpu.vector_load %arg7[%swap3A_141] {strides = array<i32>} : memref<2048xf32, #tpu.memory_space<vmem>>, vector<16xf32>,
    tpu.vector_store %arg7[%swap3A_141], %broadcast_in_dim3A_3 {strides = array<i32>} : memref<2048xf32, #tpu.memory_space<vmem>>, vector<16xf32>,
    %swap3A_143 = arith.constant 1120 : index
    %swap3A_144 = tpu.vector_load %arg7[%swap3A_143] {strides = array<i32>} : memref<2048xf32, #tpu.memory_space<vmem>>, vector<16xf32>,
    tpu.vector_store %arg7[%swap3A_143], %broadcast_in_dim3A_3 {strides = array<i32>} : memref<2048xf32, #tpu.memory_space<vmem>>, vector<16xf32>,
    %swap3A_145 = arith.constant 1136 : index
    %swap3A_146 = tpu.vector_load %arg7[%swap3A_145] {strides = array<i32>} : memref<2048xf32, #tpu.memory_space<vmem>>, vector<16xf32>,
    tpu.vector_store %arg7[%swap3A_145], %broadcast_in_dim3A_3 {strides = array<i32>} : memref<2048xf32, #tpu.memory_space<vmem>>, vector<16xf32>,
    %swap3A_147 = arith.constant 1152 : index
    %swap3A_148 = tpu.vector_load %arg7[%swap3A_147] {strides = array<i32>} : memref<2048xf32, #tpu.memory_space<vmem>>, vector<16xf32>,
    tpu.vector_store %arg7[%swap3A_147], %broadcast_in_dim3A_3 {strides = array<i32>} : memref<2048xf32, #tpu.memory_space<vmem>>, vector<16xf32>,
    %swap3A_149 = arith.constant 1168 : index
    %swap3A_150 = tpu.vector_load %arg7[%swap3A_149] {strides = array<i32>} : memref<2048xf32, #tpu.memory_space<vmem>>, vector<16xf32>,
    tpu.vector_store %arg7[%swap3A_149], %broadcast_in_dim3A_3 {strides = array<i32>} : memref<2048xf32, #tpu.memory_space<vmem>>, vector<16xf32>,
    %swap3A_151 = arith.constant 1184 : index
    %swap3A_152 = tpu.vector_load %arg7[%swap3A_151] {strides = array<i32>} : memref<2048xf32, #tpu.memory_space<vmem>>, vector<16xf32>,
    tpu.vector_store %arg7[%swap3A_151], %broadcast_in_dim3A_3 {strides = array<i32>} : memref<2048xf32, #tpu.memory_space<vmem>>, vector<16xf32>,
    %swap3A_153 = arith.constant 1200 : index
    %swap3A_154 = tpu.vector_load %arg7[%swap3A_153] {strides = array<i32>} : memref<2048xf32, #tpu.memory_space<vmem>>, vector<16xf32>,
    tpu.vector_store %arg7[%swap3A_153], %broadcast_in_dim3A_3 {strides = array<i32>} : memref<2048xf32, #tpu.memory_space<vmem>>, vector<16xf32>,
    %swap3A_155 = arith.constant 1216 : index
    %swap3A_156 = tpu.vector_load %arg7[%swap3A_155] {strides = array<i32>} : memref<2048xf32, #tpu.memory_space<vmem>>, vector<16xf32>,
    tpu.vector_store %arg7[%swap3A_155], %broadcast_in_dim3A_3 {strides = array<i32>} : memref<2048xf32, #tpu.memory_space<vmem>>, vector<16xf32>,
    %swap3A_157 = arith.constant 1232 : index
    %swap3A_158 = tpu.vector_load %arg7[%swap3A_157] {strides = array<i32>} : memref<2048xf32, #tpu.memory_space<vmem>>, vector<16xf32>,
    tpu.vector_store %arg7[%swap3A_157], %broadcast_in_dim3A_3 {strides = array<i32>} : memref<2048xf32, #tpu.memory_space<vmem>>, vector<16xf32>,
    %swap3A_159 = arith.constant 1248 : index
    %swap3A_160 = tpu.vector_load %arg7[%swap3A_159] {strides = array<i32>} : memref<2048xf32, #tpu.memory_space<vmem>>, vector<16xf32>,
    tpu.vector_store %arg7[%swap3A_159], %broadcast_in_dim3A_3 {strides = array<i32>} : memref<2048xf32, #tpu.memory_space<vmem>>, vector<16xf32>,
    %swap3A_161 = arith.constant 1264 : index
    %swap3A_162 = tpu.vector_load %arg7[%swap3A_161] {strides = array<i32>} : memref<2048xf32, #tpu.memory_space<vmem>>, vector<16xf32>,
    tpu.vector_store %arg7[%swap3A_161], %broadcast_in_dim3A_3 {strides = array<i32>} : memref<2048xf32, #tpu.memory_space<vmem>>, vector<16xf32>,
    %swap3A_163 = arith.constant 1280 : index
    %swap3A_164 = tpu.vector_load %arg7[%swap3A_163] {strides = array<i32>} : memref<2048xf32, #tpu.memory_space<vmem>>, vector<16xf32>,
    tpu.vector_store %arg7[%swap3A_163], %broadcast_in_dim3A_3 {strides = array<i32>} : memref<2048xf32, #tpu.memory_space<vmem>>, vector<16xf32>,
    %swap3A_165 = arith.constant 1296 : index
    %swap3A_166 = tpu.vector_load %arg7[%swap3A_165] {strides = array<i32>} : memref<2048xf32, #tpu.memory_space<vmem>>, vector<16xf32>,
    tpu.vector_store %arg7[%swap3A_165], %broadcast_in_dim3A_3 {strides = array<i32>} : memref<2048xf32, #tpu.memory_space<vmem>>, vector<16xf32>,
    %swap3A_167 = arith.constant 1312 : index
    %swap3A_168 = tpu.vector_load %arg7[%swap3A_167] {strides = array<i32>} : memref<2048xf32, #tpu.memory_space<vmem>>, vector<16xf32>,
    tpu.vector_store %arg7[%swap3A_167], %broadcast_in_dim3A_3 {strides = array<i32>} : memref<2048xf32, #tpu.memory_space<vmem>>, vector<16xf32>,
    %swap3A_169 = arith.constant 1328 : index
    %swap3A_170 = tpu.vector_load %arg7[%swap3A_169] {strides = array<i32>} : memref<2048xf32, #tpu.memory_space<vmem>>, vector<16xf32>,
    tpu.vector_store %arg7[%swap3A_169], %broadcast_in_dim3A_3 {strides = array<i32>} : memref<2048xf32, #tpu.memory_space<vmem>>, vector<16xf32>,
    %swap3A_171 = arith.constant 1344 : index
    %swap3A_172 = tpu.vector_load %arg7[%swap3A_171] {strides = array<i32>} : memref<2048xf32, #tpu.memory_space<vmem>>, vector<16xf32>,
    tpu.vector_store %arg7[%swap3A_171], %broadcast_in_dim3A_3 {strides = array<i32>} : memref<2048xf32, #tpu.memory_space<vmem>>, vector<16xf32>,
    %swap3A_173 = arith.constant 1360 : index
    %swap3A_174 = tpu.vector_load %arg7[%swap3A_173] {strides = array<i32>} : memref<2048xf32, #tpu.memory_space<vmem>>, vector<16xf32>,
    tpu.vector_store %arg7[%swap3A_173], %broadcast_in_dim3A_3 {strides = array<i32>} : memref<2048xf32, #tpu.memory_space<vmem>>, vector<16xf32>,
    %swap3A_175 = arith.constant 1376 : index
    %swap3A_176 = tpu.vector_load %arg7[%swap3A_175] {strides = array<i32>} : memref<2048xf32, #tpu.memory_space<vmem>>, vector<16xf32>,
    tpu.vector_store %arg7[%swap3A_175], %broadcast_in_dim3A_3 {strides = array<i32>} : memref<2048xf32, #tpu.memory_space<vmem>>, vector<16xf32>,
    %swap3A_177 = arith.constant 1392 : index
    %swap3A_178 = tpu.vector_load %arg7[%swap3A_177] {strides = array<i32>} : memref<2048xf32, #tpu.memory_space<vmem>>, vector<16xf32>,
    tpu.vector_store %arg7[%swap3A_177], %broadcast_in_dim3A_3 {strides = array<i32>} : memref<2048xf32, #tpu.memory_space<vmem>>, vector<16xf32>,
    %swap3A_179 = arith.constant 1408 : index
    %swap3A_180 = tpu.vector_load %arg7[%swap3A_179] {strides = array<i32>} : memref<2048xf32, #tpu.memory_space<vmem>>, vector<16xf32>,
    tpu.vector_store %arg7[%swap3A_179], %broadcast_in_dim3A_3 {strides = array<i32>} : memref<2048xf32, #tpu.memory_space<vmem>>, vector<16xf32>,
    %swap3A_181 = arith.constant 1424 : index
    %swap3A_182 = tpu.vector_load %arg7[%swap3A_181] {strides = array<i32>} : memref<2048xf32, #tpu.memory_space<vmem>>, vector<16xf32>,
    tpu.vector_store %arg7[%swap3A_181], %broadcast_in_dim3A_3 {strides = array<i32>} : memref<2048xf32, #tpu.memory_space<vmem>>, vector<16xf32>,
    %swap3A_183 = arith.constant 1440 : index
    %swap3A_184 = tpu.vector_load %arg7[%swap3A_183] {strides = array<i32>} : memref<2048xf32, #tpu.memory_space<vmem>>, vector<16xf32>,
    tpu.vector_store %arg7[%swap3A_183], %broadcast_in_dim3A_3 {strides = array<i32>} : memref<2048xf32, #tpu.memory_space<vmem>>, vector<16xf32>,
    %swap3A_185 = arith.constant 1456 : index
    %swap3A_186 = tpu.vector_load %arg7[%swap3A_185] {strides = array<i32>} : memref<2048xf32, #tpu.memory_space<vmem>>, vector<16xf32>,
    tpu.vector_store %arg7[%swap3A_185], %broadcast_in_dim3A_3 {strides = array<i32>} : memref<2048xf32, #tpu.memory_space<vmem>>, vector<16xf32>,
    %swap3A_187 = arith.constant 1472 : index
    %swap3A_188 = tpu.vector_load %arg7[%swap3A_187] {strides = array<i32>} : memref<2048xf32, #tpu.memory_space<vmem>>, vector<16xf32>,
    tpu.vector_store %arg7[%swap3A_187], %broadcast_in_dim3A_3 {strides = array<i32>} : memref<2048xf32, #tpu.memory_space<vmem>>, vector<16xf32>,
    %swap3A_189 = arith.constant 1488 : index
    %swap3A_190 = tpu.vector_load %arg7[%swap3A_189] {strides = array<i32>} : memref<2048xf32, #tpu.memory_space<vmem>>, vector<16xf32>,
    tpu.vector_store %arg7[%swap3A_189], %broadcast_in_dim3A_3 {strides = array<i32>} : memref<2048xf32, #tpu.memory_space<vmem>>, vector<16xf32>,
    %swap3A_191 = arith.constant 1504 : index
    %swap3A_192 = tpu.vector_load %arg7[%swap3A_191] {strides = array<i32>} : memref<2048xf32, #tpu.memory_space<vmem>>, vector<16xf32>,
    tpu.vector_store %arg7[%swap3A_191], %broadcast_in_dim3A_3 {strides = array<i32>} : memref<2048xf32, #tpu.memory_space<vmem>>, vector<16xf32>,
    %swap3A_193 = arith.constant 1520 : index
    %swap3A_194 = tpu.vector_load %arg7[%swap3A_193] {strides = array<i32>} : memref<2048xf32, #tpu.memory_space<vmem>>, vector<16xf32>,
    tpu.vector_store %arg7[%swap3A_193], %broadcast_in_dim3A_3 {strides = array<i32>} : memref<2048xf32, #tpu.memory_space<vmem>>, vector<16xf32>,
    %swap3A_195 = arith.constant 1536 : index
    %swap3A_196 = tpu.vector_load %arg7[%swap3A_195] {strides = array<i32>} : memref<2048xf32, #tpu.memory_space<vmem>>, vector<16xf32>,
    tpu.vector_store %arg7[%swap3A_195], %broadcast_in_dim3A_3 {strides = array<i32>} : memref<2048xf32, #tpu.memory_space<vmem>>, vector<16xf32>,
    %swap3A_197 = arith.constant 1552 : index
    %swap3A_198 = tpu.vector_load %arg7[%swap3A_197] {strides = array<i32>} : memref<2048xf32, #tpu.memory_space<vmem>>, vector<16xf32>,
    tpu.vector_store %arg7[%swap3A_197], %broadcast_in_dim3A_3 {strides = array<i32>} : memref<2048xf32, #tpu.memory_space<vmem>>, vector<16xf32>,
    %swap3A_199 = arith.constant 1568 : index
    %swap3A_200 = tpu.vector_load %arg7[%swap3A_199] {strides = array<i32>} : memref<2048xf32, #tpu.memory_space<vmem>>, vector<16xf32>,
    tpu.vector_store %arg7[%swap3A_199], %broadcast_in_dim3A_3 {strides = array<i32>} : memref<2048xf32, #tpu.memory_space<vmem>>, vector<16xf32>,
    %swap3A_201 = arith.constant 1584 : index
    %swap3A_202 = tpu.vector_load %arg7[%swap3A_201] {strides = array<i32>} : memref<2048xf32, #tpu.memory_space<vmem>>, vector<16xf32>,
    tpu.vector_store %arg7[%swap3A_201], %broadcast_in_dim3A_3 {strides = array<i32>} : memref<2048xf32, #tpu.memory_space<vmem>>, vector<16xf32>,
    %swap3A_203 = arith.constant 1600 : index
    %swap3A_204 = tpu.vector_load %arg7[%swap3A_203] {strides = array<i32>} : memref<2048xf32, #tpu.memory_space<vmem>>, vector<16xf32>,
    tpu.vector_store %arg7[%swap3A_203], %broadcast_in_dim3A_3 {strides = array<i32>} : memref<2048xf32, #tpu.memory_space<vmem>>, vector<16xf32>,
    %swap3A_205 = arith.constant 1616 : index
    %swap3A_206 = tpu.vector_load %arg7[%swap3A_205] {strides = array<i32>} : memref<2048xf32, #tpu.memory_space<vmem>>, vector<16xf32>,
    tpu.vector_store %arg7[%swap3A_205], %broadcast_in_dim3A_3 {strides = array<i32>} : memref<2048xf32, #tpu.memory_space<vmem>>, vector<16xf32>,
    %swap3A_207 = arith.constant 1632 : index
    %swap3A_208 = tpu.vector_load %arg7[%swap3A_207] {strides = array<i32>} : memref<2048xf32, #tpu.memory_space<vmem>>, vector<16xf32>,
    tpu.vector_store %arg7[%swap3A_207], %broadcast_in_dim3A_3 {strides = array<i32>} : memref<2048xf32, #tpu.memory_space<vmem>>, vector<16xf32>,
    %swap3A_209 = arith.constant 1648 : index
    %swap3A_210 = tpu.vector_load %arg7[%swap3A_209] {strides = array<i32>} : memref<2048xf32, #tpu.memory_space<vmem>>, vector<16xf32>,
    tpu.vector_store %arg7[%swap3A_209], %broadcast_in_dim3A_3 {strides = array<i32>} : memref<2048xf32, #tpu.memory_space<vmem>>, vector<16xf32>,
    %swap3A_211 = arith.constant 1664 : index
    %swap3A_212 = tpu.vector_load %arg7[%swap3A_211] {strides = array<i32>} : memref<2048xf32, #tpu.memory_space<vmem>>, vector<16xf32>,
    tpu.vector_store %arg7[%swap3A_211], %broadcast_in_dim3A_3 {strides = array<i32>} : memref<2048xf32, #tpu.memory_space<vmem>>, vector<16xf32>,
    %swap3A_213 = arith.constant 1680 : index
    %swap3A_214 = tpu.vector_load %arg7[%swap3A_213] {strides = array<i32>} : memref<2048xf32, #tpu.memory_space<vmem>>, vector<16xf32>,
    tpu.vector_store %arg7[%swap3A_213], %broadcast_in_dim3A_3 {strides = array<i32>} : memref<2048xf32, #tpu.memory_space<vmem>>, vector<16xf32>,
    %swap3A_215 = arith.constant 1696 : index
    %swap3A_216 = tpu.vector_load %arg7[%swap3A_215] {strides = array<i32>} : memref<2048xf32, #tpu.memory_space<vmem>>, vector<16xf32>,
    tpu.vector_store %arg7[%swap3A_215], %broadcast_in_dim3A_3 {strides = array<i32>} : memref<2048xf32, #tpu.memory_space<vmem>>, vector<16xf32>,
    %swap3A_217 = arith.constant 1712 : index
    %swap3A_218 = tpu.vector_load %arg7[%swap3A_217] {strides = array<i32>} : memref<2048xf32, #tpu.memory_space<vmem>>, vector<16xf32>,
    tpu.vector_store %arg7[%swap3A_217], %broadcast_in_dim3A_3 {strides = array<i32>} : memref<2048xf32, #tpu.memory_space<vmem>>, vector<16xf32>,
    %swap3A_219 = arith.constant 1728 : index
    %swap3A_220 = tpu.vector_load %arg7[%swap3A_219] {strides = array<i32>} : memref<2048xf32, #tpu.memory_space<vmem>>, vector<16xf32>,
    tpu.vector_store %arg7[%swap3A_219], %broadcast_in_dim3A_3 {strides = array<i32>} : memref<2048xf32, #tpu.memory_space<vmem>>, vector<16xf32>,
    %swap3A_221 = arith.constant 1744 : index
    %swap3A_222 = tpu.vector_load %arg7[%swap3A_221] {strides = array<i32>} : memref<2048xf32, #tpu.memory_space<vmem>>, vector<16xf32>,
    tpu.vector_store %arg7[%swap3A_221], %broadcast_in_dim3A_3 {strides = array<i32>} : memref<2048xf32, #tpu.memory_space<vmem>>, vector<16xf32>,
    %swap3A_223 = arith.constant 1760 : index
    %swap3A_224 = tpu.vector_load %arg7[%swap3A_223] {strides = array<i32>} : memref<2048xf32, #tpu.memory_space<vmem>>, vector<16xf32>,
    tpu.vector_store %arg7[%swap3A_223], %broadcast_in_dim3A_3 {strides = array<i32>} : memref<2048xf32, #tpu.memory_space<vmem>>, vector<16xf32>,
    %swap3A_225 = arith.constant 1776 : index
    %swap3A_226 = tpu.vector_load %arg7[%swap3A_225] {strides = array<i32>} : memref<2048xf32, #tpu.memory_space<vmem>>, vector<16xf32>,
    tpu.vector_store %arg7[%swap3A_225], %broadcast_in_dim3A_3 {strides = array<i32>} : memref<2048xf32, #tpu.memory_space<vmem>>, vector<16xf32>,
    %swap3A_227 = arith.constant 1792 : index
    %swap3A_228 = tpu.vector_load %arg7[%swap3A_227] {strides = array<i32>} : memref<2048xf32, #tpu.memory_space<vmem>>, vector<16xf32>,
    tpu.vector_store %arg7[%swap3A_227], %broadcast_in_dim3A_3 {strides = array<i32>} : memref<2048xf32, #tpu.memory_space<vmem>>, vector<16xf32>,
    %swap3A_229 = arith.constant 1808 : index
    %swap3A_230 = tpu.vector_load %arg7[%swap3A_229] {strides = array<i32>} : memref<2048xf32, #tpu.memory_space<vmem>>, vector<16xf32>,
    tpu.vector_store %arg7[%swap3A_229], %broadcast_in_dim3A_3 {strides = array<i32>} : memref<2048xf32, #tpu.memory_space<vmem>>, vector<16xf32>,
    %swap3A_231 = arith.constant 1824 : index
    %swap3A_232 = tpu.vector_load %arg7[%swap3A_231] {strides = array<i32>} : memref<2048xf32, #tpu.memory_space<vmem>>, vector<16xf32>,
    tpu.vector_store %arg7[%swap3A_231], %broadcast_in_dim3A_3 {strides = array<i32>} : memref<2048xf32, #tpu.memory_space<vmem>>, vector<16xf32>,
    %swap3A_233 = arith.constant 1840 : index
    %swap3A_234 = tpu.vector_load %arg7[%swap3A_233] {strides = array<i32>} : memref<2048xf32, #tpu.memory_space<vmem>>, vector<16xf32>,
    tpu.vector_store %arg7[%swap3A_233], %broadcast_in_dim3A_3 {strides = array<i32>} : memref<2048xf32, #tpu.memory_space<vmem>>, vector<16xf32>,
    %swap3A_235 = arith.constant 1856 : index
    %swap3A_236 = tpu.vector_load %arg7[%swap3A_235] {strides = array<i32>} : memref<2048xf32, #tpu.memory_space<vmem>>, vector<16xf32>,
    tpu.vector_store %arg7[%swap3A_235], %broadcast_in_dim3A_3 {strides = array<i32>} : memref<2048xf32, #tpu.memory_space<vmem>>, vector<16xf32>,
    %swap3A_237 = arith.constant 1872 : index
    %swap3A_238 = tpu.vector_load %arg7[%swap3A_237] {strides = array<i32>} : memref<2048xf32, #tpu.memory_space<vmem>>, vector<16xf32>,
    tpu.vector_store %arg7[%swap3A_237], %broadcast_in_dim3A_3 {strides = array<i32>} : memref<2048xf32, #tpu.memory_space<vmem>>, vector<16xf32>,
    %swap3A_239 = arith.constant 1888 : index
    %swap3A_240 = tpu.vector_load %arg7[%swap3A_239] {strides = array<i32>} : memref<2048xf32, #tpu.memory_space<vmem>>, vector<16xf32>,
    tpu.vector_store %arg7[%swap3A_239], %broadcast_in_dim3A_3 {strides = array<i32>} : memref<2048xf32, #tpu.memory_space<vmem>>, vector<16xf32>,
    %swap3A_241 = arith.constant 1904 : index
    %swap3A_242 = tpu.vector_load %arg7[%swap3A_241] {strides = array<i32>} : memref<2048xf32, #tpu.memory_space<vmem>>, vector<16xf32>,
    tpu.vector_store %arg7[%swap3A_241], %broadcast_in_dim3A_3 {strides = array<i32>} : memref<2048xf32, #tpu.memory_space<vmem>>, vector<16xf32>,
    %swap3A_243 = arith.constant 1920 : index
    %swap3A_244 = tpu.vector_load %arg7[%swap3A_243] {strides = array<i32>} : memref<2048xf32, #tpu.memory_space<vmem>>, vector<16xf32>,
    tpu.vector_store %arg7[%swap3A_243], %broadcast_in_dim3A_3 {strides = array<i32>} : memref<2048xf32, #tpu.memory_space<vmem>>, vector<16xf32>,
    %swap3A_245 = arith.constant 1936 : index
    %swap3A_246 = tpu.vector_load %arg7[%swap3A_245] {strides = array<i32>} : memref<2048xf32, #tpu.memory_space<vmem>>, vector<16xf32>,
    tpu.vector_store %arg7[%swap3A_245], %broadcast_in_dim3A_3 {strides = array<i32>} : memref<2048xf32, #tpu.memory_space<vmem>>, vector<16xf32>,
    %swap3A_247 = arith.constant 1952 : index
    %swap3A_248 = tpu.vector_load %arg7[%swap3A_247] {strides = array<i32>} : memref<2048xf32, #tpu.memory_space<vmem>>, vector<16xf32>,
    tpu.vector_store %arg7[%swap3A_247], %broadcast_in_dim3A_3 {strides = array<i32>} : memref<2048xf32, #tpu.memory_space<vmem>>, vector<16xf32>,
    %swap3A_249 = arith.constant 1968 : index
    %swap3A_250 = tpu.vector_load %arg7[%swap3A_249] {strides = array<i32>} : memref<2048xf32, #tpu.memory_space<vmem>>, vector<16xf32>,
    tpu.vector_store %arg7[%swap3A_249], %broadcast_in_dim3A_3 {strides = array<i32>} : memref<2048xf32, #tpu.memory_space<vmem>>, vector<16xf32>,
    %swap3A_251 = arith.constant 1984 : index
    %swap3A_252 = tpu.vector_load %arg7[%swap3A_251] {strides = array<i32>} : memref<2048xf32, #tpu.memory_space<vmem>>, vector<16xf32>,
    tpu.vector_store %arg7[%swap3A_251], %broadcast_in_dim3A_3 {strides = array<i32>} : memref<2048xf32, #tpu.memory_space<vmem>>, vector<16xf32>,
    %swap3A_253 = arith.constant 2000 : index
    %swap3A_254 = tpu.vector_load %arg7[%swap3A_253] {strides = array<i32>} : memref<2048xf32, #tpu.memory_space<vmem>>, vector<16xf32>,
    tpu.vector_store %arg7[%swap3A_253], %broadcast_in_dim3A_3 {strides = array<i32>} : memref<2048xf32, #tpu.memory_space<vmem>>, vector<16xf32>,
    %swap3A_255 = arith.constant 2016 : index
    %swap3A_256 = tpu.vector_load %arg7[%swap3A_255] {strides = array<i32>} : memref<2048xf32, #tpu.memory_space<vmem>>, vector<16xf32>,
    tpu.vector_store %arg7[%swap3A_255], %broadcast_in_dim3A_3 {strides = array<i32>} : memref<2048xf32, #tpu.memory_space<vmem>>, vector<16xf32>,
    %swap3A_257 = arith.constant 2032 : index
    %swap3A_258 = tpu.vector_load %arg7[%swap3A_257] {strides = array<i32>} : memref<2048xf32, #tpu.memory_space<vmem>>, vector<16xf32>,
    tpu.vector_store %arg7[%swap3A_257], %broadcast_in_dim3A_3 {strides = array<i32>} : memref<2048xf32, #tpu.memory_space<vmem>>, vector<16xf32>,
    %get3A = arith.constant 0 : index
    %get3A_259 = tpu.vector_load %arg5[%get3A] {strides = array<i32>} : memref<512xf32, #tpu.memory_space<vmem>>, vector<16xf32>,
    %get3A_260 = arith.constant 0 : index
    %get3A_261 = tpu.vector_load %arg6[%get3A_260] {strides = array<i32>} : memref<512xi32, #tpu.memory_space<vmem>>, vector<16xi32>,
    %div3A = arith.constant 0.00195694715 : f32
    %div3A_262 = vector.broadcast %div3A : f32 to vector<16xf32>
    %div3A_263 = arith.divf %get3A_259, %div3A_262 : vector<16xf32>
    %convert_element_type3A = arith.fptosi %div3A_263 : vector<16xf32> to vector<16xi32>
    %convert_element_type3A_264 = arith.sitofp %convert_element_type3A : vector<16xi32> to vector<16xf32>
    %sub3A = arith.subf %div3A_263, %convert_element_type3A_264 : vector<16xf32>
    %mul3A_265 = arith.constant 1024 : i32
    %mul3A_266 = vector.broadcast %mul3A_265 : i32 to vector<16xi32>
    %mul3A_267 = arith.muli %get3A_261, %mul3A_266 : vector<16xi32>
    %add3A_268 = arith.addi %mul3A_267, %convert_element_type3A : vector<16xi32>
    %sub3A_269 = arith.constant 1.000000e+00 : f32
    %sub3A_270 = vector.broadcast %sub3A_269 : f32 to vector<16xf32>
    %sub3A_271 = arith.subf %sub3A_270, %sub3A : vector<16xf32>
    tpu.vector_store_idx %arg7[%add3A_268], %sub3A_271 {add = true} : memref<2048xf32, #tpu.memory_space<vmem>>[vector<16xi32>], vector<16xf32>,
    %add3A_272 = arith.constant 1 : i32
    %add3A_273 = vector.broadcast %add3A_272 : i32 to vector<16xi32>
    %add3A_274 = arith.addi %add3A_268, %add3A_273 : vector<16xi32>
    tpu.vector_store_idx %arg7[%add3A_274], %sub3A {add = true} : memref<2048xf32, #tpu.memory_space<vmem>>[vector<16xi32>], vector<16xf32>,
    %get3A_275 = arith.constant 16 : index
    %get3A_276 = tpu.vector_load %arg5[%get3A_275] {strides = array<i32>} : memref<512xf32, #tpu.memory_space<vmem>>, vector<16xf32>,
    %get3A_277 = arith.constant 16 : index
    %get3A_278 = tpu.vector_load %arg6[%get3A_277] {strides = array<i32>} : memref<512xi32, #tpu.memory_space<vmem>>, vector<16xi32>,
    %div3A_279 = arith.constant 0.00195694715 : f32
    %div3A_280 = vector.broadcast %div3A_279 : f32 to vector<16xf32>
    %div3A_281 = arith.divf %get3A_276, %div3A_280 : vector<16xf32>
    %convert_element_type3A_282 = arith.fptosi %div3A_281 : vector<16xf32> to vector<16xi32>
    %convert_element_type3A_283 = arith.sitofp %convert_element_type3A_282 : vector<16xi32> to vector<16xf32>
    %sub3A_284 = arith.subf %div3A_281, %convert_element_type3A_283 : vector<16xf32>
    %mul3A_285 = arith.constant 1024 : i32
    %mul3A_286 = vector.broadcast %mul3A_285 : i32 to vector<16xi32>
    %mul3A_287 = arith.muli %get3A_278, %mul3A_286 : vector<16xi32>
    %add3A_288 = arith.addi %mul3A_287, %convert_element_type3A_282 : vector<16xi32>
    %sub3A_289 = arith.constant 1.000000e+00 : f32
    %sub3A_290 = vector.broadcast %sub3A_289 : f32 to vector<16xf32>
    %sub3A_291 = arith.subf %sub3A_290, %sub3A_284 : vector<16xf32>
    tpu.vector_store_idx %arg7[%add3A_288], %sub3A_291 {add = true} : memref<2048xf32, #tpu.memory_space<vmem>>[vector<16xi32>], vector<16xf32>,
    %add3A_292 = arith.constant 1 : i32
    %add3A_293 = vector.broadcast %add3A_292 : i32 to vector<16xi32>
    %add3A_294 = arith.addi %add3A_288, %add3A_293 : vector<16xi32>
    tpu.vector_store_idx %arg7[%add3A_294], %sub3A_284 {add = true} : memref<2048xf32, #tpu.memory_space<vmem>>[vector<16xi32>], vector<16xf32>,
    %get3A_295 = arith.constant 32 : index
    %get3A_296 = tpu.vector_load %arg5[%get3A_295] {strides = array<i32>} : memref<512xf32, #tpu.memory_space<vmem>>, vector<16xf32>,
    %get3A_297 = arith.constant 32 : index
    %get3A_298 = tpu.vector_load %arg6[%get3A_297] {strides = array<i32>} : memref<512xi32, #tpu.memory_space<vmem>>, vector<16xi32>,
    %div3A_299 = arith.constant 0.00195694715 : f32
    %div3A_300 = vector.broadcast %div3A_299 : f32 to vector<16xf32>
    %div3A_301 = arith.divf %get3A_296, %div3A_300 : vector<16xf32>
    %convert_element_type3A_302 = arith.fptosi %div3A_301 : vector<16xf32> to vector<16xi32>
    %convert_element_type3A_303 = arith.sitofp %convert_element_type3A_302 : vector<16xi32> to vector<16xf32>
    %sub3A_304 = arith.subf %div3A_301, %convert_element_type3A_303 : vector<16xf32>
    %mul3A_305 = arith.constant 1024 : i32
    %mul3A_306 = vector.broadcast %mul3A_305 : i32 to vector<16xi32>
    %mul3A_307 = arith.muli %get3A_298, %mul3A_306 : vector<16xi32>
    %add3A_308 = arith.addi %mul3A_307, %convert_element_type3A_302 : vector<16xi32>
    %sub3A_309 = arith.constant 1.000000e+00 : f32
    %sub3A_310 = vector.broadcast %sub3A_309 : f32 to vector<16xf32>
    %sub3A_311 = arith.subf %sub3A_310, %sub3A_304 : vector<16xf32>
    tpu.vector_store_idx %arg7[%add3A_308], %sub3A_311 {add = true} : memref<2048xf32, #tpu.memory_space<vmem>>[vector<16xi32>], vector<16xf32>,
    %add3A_312 = arith.constant 1 : i32
    %add3A_313 = vector.broadcast %add3A_312 : i32 to vector<16xi32>
    %add3A_314 = arith.addi %add3A_308, %add3A_313 : vector<16xi32>
    tpu.vector_store_idx %arg7[%add3A_314], %sub3A_304 {add = true} : memref<2048xf32, #tpu.memory_space<vmem>>[vector<16xi32>], vector<16xf32>,
    %get3A_315 = arith.constant 48 : index
    %get3A_316 = tpu.vector_load %arg5[%get3A_315] {strides = array<i32>} : memref<512xf32, #tpu.memory_space<vmem>>, vector<16xf32>,
    %get3A_317 = arith.constant 48 : index
    %get3A_318 = tpu.vector_load %arg6[%get3A_317] {strides = array<i32>} : memref<512xi32, #tpu.memory_space<vmem>>, vector<16xi32>,
    %div3A_319 = arith.constant 0.00195694715 : f32
    %div3A_320 = vector.broadcast %div3A_319 : f32 to vector<16xf32>
    %div3A_321 = arith.divf %get3A_316, %div3A_320 : vector<16xf32>
    %convert_element_type3A_322 = arith.fptosi %div3A_321 : vector<16xf32> to vector<16xi32>
    %convert_element_type3A_323 = arith.sitofp %convert_element_type3A_322 : vector<16xi32> to vector<16xf32>
    %sub3A_324 = arith.subf %div3A_321, %convert_element_type3A_323 : vector<16xf32>
    %mul3A_325 = arith.constant 1024 : i32
    %mul3A_326 = vector.broadcast %mul3A_325 : i32 to vector<16xi32>
    %mul3A_327 = arith.muli %get3A_318, %mul3A_326 : vector<16xi32>
    %add3A_328 = arith.addi %mul3A_327, %convert_element_type3A_322 : vector<16xi32>
    %sub3A_329 = arith.constant 1.000000e+00 : f32
    %sub3A_330 = vector.broadcast %sub3A_329 : f32 to vector<16xf32>
    %sub3A_331 = arith.subf %sub3A_330, %sub3A_324 : vector<16xf32>
    tpu.vector_store_idx %arg7[%add3A_328], %sub3A_331 {add = true} : memref<2048xf32, #tpu.memory_space<vmem>>[vector<16xi32>], vector<16xf32>,
    %add3A_332 = arith.constant 1 : i32
    %add3A_333 = vector.broadcast %add3A_332 : i32 to vector<16xi32>
    %add3A_334 = arith.addi %add3A_328, %add3A_333 : vector<16xi32>
    tpu.vector_store_idx %arg7[%add3A_334], %sub3A_324 {add = true} : memref<2048xf32, #tpu.memory_space<vmem>>[vector<16xi32>], vector<16xf32>,
    %get3A_335 = arith.constant 64 : index
    %get3A_336 = tpu.vector_load %arg5[%get3A_335] {strides = array<i32>} : memref<512xf32, #tpu.memory_space<vmem>>, vector<16xf32>,
    %get3A_337 = arith.constant 64 : index
    %get3A_338 = tpu.vector_load %arg6[%get3A_337] {strides = array<i32>} : memref<512xi32, #tpu.memory_space<vmem>>, vector<16xi32>,
    %div3A_339 = arith.constant 0.00195694715 : f32
    %div3A_340 = vector.broadcast %div3A_339 : f32 to vector<16xf32>
    %div3A_341 = arith.divf %get3A_336, %div3A_340 : vector<16xf32>
    %convert_element_type3A_342 = arith.fptosi %div3A_341 : vector<16xf32> to vector<16xi32>
    %convert_element_type3A_343 = arith.sitofp %convert_element_type3A_342 : vector<16xi32> to vector<16xf32>
    %sub3A_344 = arith.subf %div3A_341, %convert_element_type3A_343 : vector<16xf32>
    %mul3A_345 = arith.constant 1024 : i32
    %mul3A_346 = vector.broadcast %mul3A_345 : i32 to vector<16xi32>
    %mul3A_347 = arith.muli %get3A_338, %mul3A_346 : vector<16xi32>
    %add3A_348 = arith.addi %mul3A_347, %convert_element_type3A_342 : vector<16xi32>
    %sub3A_349 = arith.constant 1.000000e+00 : f32
    %sub3A_350 = vector.broadcast %sub3A_349 : f32 to vector<16xf32>
    %sub3A_351 = arith.subf %sub3A_350, %sub3A_344 : vector<16xf32>
    tpu.vector_store_idx %arg7[%add3A_348], %sub3A_351 {add = true} : memref<2048xf32, #tpu.memory_space<vmem>>[vector<16xi32>], vector<16xf32>,
    %add3A_352 = arith.constant 1 : i32
    %add3A_353 = vector.broadcast %add3A_352 : i32 to vector<16xi32>
    %add3A_354 = arith.addi %add3A_348, %add3A_353 : vector<16xi32>
    tpu.vector_store_idx %arg7[%add3A_354], %sub3A_344 {add = true} : memref<2048xf32, #tpu.memory_space<vmem>>[vector<16xi32>], vector<16xf32>,
    %get3A_355 = arith.constant 80 : index
    %get3A_356 = tpu.vector_load %arg5[%get3A_355] {strides = array<i32>} : memref<512xf32, #tpu.memory_space<vmem>>, vector<16xf32>,
    %get3A_357 = arith.constant 80 : index
    %get3A_358 = tpu.vector_load %arg6[%get3A_357] {strides = array<i32>} : memref<512xi32, #tpu.memory_space<vmem>>, vector<16xi32>,
    %div3A_359 = arith.constant 0.00195694715 : f32
    %div3A_360 = vector.broadcast %div3A_359 : f32 to vector<16xf32>
    %div3A_361 = arith.divf %get3A_356, %div3A_360 : vector<16xf32>
    %convert_element_type3A_362 = arith.fptosi %div3A_361 : vector<16xf32> to vector<16xi32>
    %convert_element_type3A_363 = arith.sitofp %convert_element_type3A_362 : vector<16xi32> to vector<16xf32>
    %sub3A_364 = arith.subf %div3A_361, %convert_element_type3A_363 : vector<16xf32>
    %mul3A_365 = arith.constant 1024 : i32
    %mul3A_366 = vector.broadcast %mul3A_365 : i32 to vector<16xi32>
    %mul3A_367 = arith.muli %get3A_358, %mul3A_366 : vector<16xi32>
    %add3A_368 = arith.addi %mul3A_367, %convert_element_type3A_362 : vector<16xi32>
    %sub3A_369 = arith.constant 1.000000e+00 : f32
    %sub3A_370 = vector.broadcast %sub3A_369 : f32 to vector<16xf32>
    %sub3A_371 = arith.subf %sub3A_370, %sub3A_364 : vector<16xf32>
    tpu.vector_store_idx %arg7[%add3A_368], %sub3A_371 {add = true} : memref<2048xf32, #tpu.memory_space<vmem>>[vector<16xi32>], vector<16xf32>,
    %add3A_372 = arith.constant 1 : i32
    %add3A_373 = vector.broadcast %add3A_372 : i32 to vector<16xi32>
    %add3A_374 = arith.addi %add3A_368, %add3A_373 : vector<16xi32>
    tpu.vector_store_idx %arg7[%add3A_374], %sub3A_364 {add = true} : memref<2048xf32, #tpu.memory_space<vmem>>[vector<16xi32>], vector<16xf32>,
    %get3A_375 = arith.constant 96 : index
    %get3A_376 = tpu.vector_load %arg5[%get3A_375] {strides = array<i32>} : memref<512xf32, #tpu.memory_space<vmem>>, vector<16xf32>,
    %get3A_377 = arith.constant 96 : index
    %get3A_378 = tpu.vector_load %arg6[%get3A_377] {strides = array<i32>} : memref<512xi32, #tpu.memory_space<vmem>>, vector<16xi32>,
    %div3A_379 = arith.constant 0.00195694715 : f32
    %div3A_380 = vector.broadcast %div3A_379 : f32 to vector<16xf32>
    %div3A_381 = arith.divf %get3A_376, %div3A_380 : vector<16xf32>
    %convert_element_type3A_382 = arith.fptosi %div3A_381 : vector<16xf32> to vector<16xi32>
    %convert_element_type3A_383 = arith.sitofp %convert_element_type3A_382 : vector<16xi32> to vector<16xf32>
    %sub3A_384 = arith.subf %div3A_381, %convert_element_type3A_383 : vector<16xf32>
    %mul3A_385 = arith.constant 1024 : i32
    %mul3A_386 = vector.broadcast %mul3A_385 : i32 to vector<16xi32>
    %mul3A_387 = arith.muli %get3A_378, %mul3A_386 : vector<16xi32>
    %add3A_388 = arith.addi %mul3A_387, %convert_element_type3A_382 : vector<16xi32>
    %sub3A_389 = arith.constant 1.000000e+00 : f32
    %sub3A_390 = vector.broadcast %sub3A_389 : f32 to vector<16xf32>
    %sub3A_391 = arith.subf %sub3A_390, %sub3A_384 : vector<16xf32>
    tpu.vector_store_idx %arg7[%add3A_388], %sub3A_391 {add = true} : memref<2048xf32, #tpu.memory_space<vmem>>[vector<16xi32>], vector<16xf32>,
    %add3A_392 = arith.constant 1 : i32
    %add3A_393 = vector.broadcast %add3A_392 : i32 to vector<16xi32>
    %add3A_394 = arith.addi %add3A_388, %add3A_393 : vector<16xi32>
    tpu.vector_store_idx %arg7[%add3A_394], %sub3A_384 {add = true} : memref<2048xf32, #tpu.memory_space<vmem>>[vector<16xi32>], vector<16xf32>,
    %get3A_395 = arith.constant 112 : index
    %get3A_396 = tpu.vector_load %arg5[%get3A_395] {strides = array<i32>} : memref<512xf32, #tpu.memory_space<vmem>>, vector<16xf32>,
    %get3A_397 = arith.constant 112 : index
    %get3A_398 = tpu.vector_load %arg6[%get3A_397] {strides = array<i32>} : memref<512xi32, #tpu.memory_space<vmem>>, vector<16xi32>,
    %div3A_399 = arith.constant 0.00195694715 : f32
    %div3A_400 = vector.broadcast %div3A_399 : f32 to vector<16xf32>
    %div3A_401 = arith.divf %get3A_396, %div3A_400 : vector<16xf32>
    %convert_element_type3A_402 = arith.fptosi %div3A_401 : vector<16xf32> to vector<16xi32>
    %convert_element_type3A_403 = arith.sitofp %convert_element_type3A_402 : vector<16xi32> to vector<16xf32>
    %sub3A_404 = arith.subf %div3A_401, %convert_element_type3A_403 : vector<16xf32>
    %mul3A_405 = arith.constant 1024 : i32
    %mul3A_406 = vector.broadcast %mul3A_405 : i32 to vector<16xi32>
    %mul3A_407 = arith.muli %get3A_398, %mul3A_406 : vector<16xi32>
    %add3A_408 = arith.addi %mul3A_407, %convert_element_type3A_402 : vector<16xi32>
    %sub3A_409 = arith.constant 1.000000e+00 : f32
    %sub3A_410 = vector.broadcast %sub3A_409 : f32 to vector<16xf32>
    %sub3A_411 = arith.subf %sub3A_410, %sub3A_404 : vector<16xf32>
    tpu.vector_store_idx %arg7[%add3A_408], %sub3A_411 {add = true} : memref<2048xf32, #tpu.memory_space<vmem>>[vector<16xi32>], vector<16xf32>,
    %add3A_412 = arith.constant 1 : i32
    %add3A_413 = vector.broadcast %add3A_412 : i32 to vector<16xi32>
    %add3A_414 = arith.addi %add3A_408, %add3A_413 : vector<16xi32>
    tpu.vector_store_idx %arg7[%add3A_414], %sub3A_404 {add = true} : memref<2048xf32, #tpu.memory_space<vmem>>[vector<16xi32>], vector<16xf32>,
    %get3A_415 = arith.constant 128 : index
    %get3A_416 = tpu.vector_load %arg5[%get3A_415] {strides = array<i32>} : memref<512xf32, #tpu.memory_space<vmem>>, vector<16xf32>,
    %get3A_417 = arith.constant 128 : index
    %get3A_418 = tpu.vector_load %arg6[%get3A_417] {strides = array<i32>} : memref<512xi32, #tpu.memory_space<vmem>>, vector<16xi32>,
    %div3A_419 = arith.constant 0.00195694715 : f32
    %div3A_420 = vector.broadcast %div3A_419 : f32 to vector<16xf32>
    %div3A_421 = arith.divf %get3A_416, %div3A_420 : vector<16xf32>
    %convert_element_type3A_422 = arith.fptosi %div3A_421 : vector<16xf32> to vector<16xi32>
    %convert_element_type3A_423 = arith.sitofp %convert_element_type3A_422 : vector<16xi32> to vector<16xf32>
    %sub3A_424 = arith.subf %div3A_421, %convert_element_type3A_423 : vector<16xf32>
    %mul3A_425 = arith.constant 1024 : i32
    %mul3A_426 = vector.broadcast %mul3A_425 : i32 to vector<16xi32>
    %mul3A_427 = arith.muli %get3A_418, %mul3A_426 : vector<16xi32>
    %add3A_428 = arith.addi %mul3A_427, %convert_element_type3A_422 : vector<16xi32>
    %sub3A_429 = arith.constant 1.000000e+00 : f32
    %sub3A_430 = vector.broadcast %sub3A_429 : f32 to vector<16xf32>
    %sub3A_431 = arith.subf %sub3A_430, %sub3A_424 : vector<16xf32>
    tpu.vector_store_idx %arg7[%add3A_428], %sub3A_431 {add = true} : memref<2048xf32, #tpu.memory_space<vmem>>[vector<16xi32>], vector<16xf32>,
    %add3A_432 = arith.constant 1 : i32
    %add3A_433 = vector.broadcast %add3A_432 : i32 to vector<16xi32>
    %add3A_434 = arith.addi %add3A_428, %add3A_433 : vector<16xi32>
    tpu.vector_store_idx %arg7[%add3A_434], %sub3A_424 {add = true} : memref<2048xf32, #tpu.memory_space<vmem>>[vector<16xi32>], vector<16xf32>,
    %get3A_435 = arith.constant 144 : index
    %get3A_436 = tpu.vector_load %arg5[%get3A_435] {strides = array<i32>} : memref<512xf32, #tpu.memory_space<vmem>>, vector<16xf32>,
    %get3A_437 = arith.constant 144 : index
    %get3A_438 = tpu.vector_load %arg6[%get3A_437] {strides = array<i32>} : memref<512xi32, #tpu.memory_space<vmem>>, vector<16xi32>,
    %div3A_439 = arith.constant 0.00195694715 : f32
    %div3A_440 = vector.broadcast %div3A_439 : f32 to vector<16xf32>
    %div3A_441 = arith.divf %get3A_436, %div3A_440 : vector<16xf32>
    %convert_element_type3A_442 = arith.fptosi %div3A_441 : vector<16xf32> to vector<16xi32>
    %convert_element_type3A_443 = arith.sitofp %convert_element_type3A_442 : vector<16xi32> to vector<16xf32>
    %sub3A_444 = arith.subf %div3A_441, %convert_element_type3A_443 : vector<16xf32>
    %mul3A_445 = arith.constant 1024 : i32
    %mul3A_446 = vector.broadcast %mul3A_445 : i32 to vector<16xi32>
    %mul3A_447 = arith.muli %get3A_438, %mul3A_446 : vector<16xi32>
    %add3A_448 = arith.addi %mul3A_447, %convert_element_type3A_442 : vector<16xi32>
    %sub3A_449 = arith.constant 1.000000e+00 : f32
    %sub3A_450 = vector.broadcast %sub3A_449 : f32 to vector<16xf32>
    %sub3A_451 = arith.subf %sub3A_450, %sub3A_444 : vector<16xf32>
    tpu.vector_store_idx %arg7[%add3A_448], %sub3A_451 {add = true} : memref<2048xf32, #tpu.memory_space<vmem>>[vector<16xi32>], vector<16xf32>,
    %add3A_452 = arith.constant 1 : i32
    %add3A_453 = vector.broadcast %add3A_452 : i32 to vector<16xi32>
    %add3A_454 = arith.addi %add3A_448, %add3A_453 : vector<16xi32>
    tpu.vector_store_idx %arg7[%add3A_454], %sub3A_444 {add = true} : memref<2048xf32, #tpu.memory_space<vmem>>[vector<16xi32>], vector<16xf32>,
    %get3A_455 = arith.constant 160 : index
    %get3A_456 = tpu.vector_load %arg5[%get3A_455] {strides = array<i32>} : memref<512xf32, #tpu.memory_space<vmem>>, vector<16xf32>,
    %get3A_457 = arith.constant 160 : index
    %get3A_458 = tpu.vector_load %arg6[%get3A_457] {strides = array<i32>} : memref<512xi32, #tpu.memory_space<vmem>>, vector<16xi32>,
    %div3A_459 = arith.constant 0.00195694715 : f32
    %div3A_460 = vector.broadcast %div3A_459 : f32 to vector<16xf32>
    %div3A_461 = arith.divf %get3A_456, %div3A_460 : vector<16xf32>
    %convert_element_type3A_462 = arith.fptosi %div3A_461 : vector<16xf32> to vector<16xi32>
    %convert_element_type3A_463 = arith.sitofp %convert_element_type3A_462 : vector<16xi32> to vector<16xf32>
    %sub3A_464 = arith.subf %div3A_461, %convert_element_type3A_463 : vector<16xf32>
    %mul3A_465 = arith.constant 1024 : i32
    %mul3A_466 = vector.broadcast %mul3A_465 : i32 to vector<16xi32>
    %mul3A_467 = arith.muli %get3A_458, %mul3A_466 : vector<16xi32>
    %add3A_468 = arith.addi %mul3A_467, %convert_element_type3A_462 : vector<16xi32>
    %sub3A_469 = arith.constant 1.000000e+00 : f32
    %sub3A_470 = vector.broadcast %sub3A_469 : f32 to vector<16xf32>
    %sub3A_471 = arith.subf %sub3A_470, %sub3A_464 : vector<16xf32>
    tpu.vector_store_idx %arg7[%add3A_468], %sub3A_471 {add = true} : memref<2048xf32, #tpu.memory_space<vmem>>[vector<16xi32>], vector<16xf32>,
    %add3A_472 = arith.constant 1 : i32
    %add3A_473 = vector.broadcast %add3A_472 : i32 to vector<16xi32>
    %add3A_474 = arith.addi %add3A_468, %add3A_473 : vector<16xi32>
    tpu.vector_store_idx %arg7[%add3A_474], %sub3A_464 {add = true} : memref<2048xf32, #tpu.memory_space<vmem>>[vector<16xi32>], vector<16xf32>,
    %get3A_475 = arith.constant 176 : index
    %get3A_476 = tpu.vector_load %arg5[%get3A_475] {strides = array<i32>} : memref<512xf32, #tpu.memory_space<vmem>>, vector<16xf32>,
    %get3A_477 = arith.constant 176 : index
    %get3A_478 = tpu.vector_load %arg6[%get3A_477] {strides = array<i32>} : memref<512xi32, #tpu.memory_space<vmem>>, vector<16xi32>,
    %div3A_479 = arith.constant 0.00195694715 : f32
    %div3A_480 = vector.broadcast %div3A_479 : f32 to vector<16xf32>
    %div3A_481 = arith.divf %get3A_476, %div3A_480 : vector<16xf32>
    %convert_element_type3A_482 = arith.fptosi %div3A_481 : vector<16xf32> to vector<16xi32>
    %convert_element_type3A_483 = arith.sitofp %convert_element_type3A_482 : vector<16xi32> to vector<16xf32>
    %sub3A_484 = arith.subf %div3A_481, %convert_element_type3A_483 : vector<16xf32>
    %mul3A_485 = arith.constant 1024 : i32
    %mul3A_486 = vector.broadcast %mul3A_485 : i32 to vector<16xi32>
    %mul3A_487 = arith.muli %get3A_478, %mul3A_486 : vector<16xi32>
    %add3A_488 = arith.addi %mul3A_487, %convert_element_type3A_482 : vector<16xi32>
    %sub3A_489 = arith.constant 1.000000e+00 : f32
    %sub3A_490 = vector.broadcast %sub3A_489 : f32 to vector<16xf32>
    %sub3A_491 = arith.subf %sub3A_490, %sub3A_484 : vector<16xf32>
    tpu.vector_store_idx %arg7[%add3A_488], %sub3A_491 {add = true} : memref<2048xf32, #tpu.memory_space<vmem>>[vector<16xi32>], vector<16xf32>,
    %add3A_492 = arith.constant 1 : i32
    %add3A_493 = vector.broadcast %add3A_492 : i32 to vector<16xi32>
    %add3A_494 = arith.addi %add3A_488, %add3A_493 : vector<16xi32>
    tpu.vector_store_idx %arg7[%add3A_494], %sub3A_484 {add = true} : memref<2048xf32, #tpu.memory_space<vmem>>[vector<16xi32>], vector<16xf32>,
    %get3A_495 = arith.constant 192 : index
    %get3A_496 = tpu.vector_load %arg5[%get3A_495] {strides = array<i32>} : memref<512xf32, #tpu.memory_space<vmem>>, vector<16xf32>,
    %get3A_497 = arith.constant 192 : index
    %get3A_498 = tpu.vector_load %arg6[%get3A_497] {strides = array<i32>} : memref<512xi32, #tpu.memory_space<vmem>>, vector<16xi32>,
    %div3A_499 = arith.constant 0.00195694715 : f32
    %div3A_500 = vector.broadcast %div3A_499 : f32 to vector<16xf32>
    %div3A_501 = arith.divf %get3A_496, %div3A_500 : vector<16xf32>
    %convert_element_type3A_502 = arith.fptosi %div3A_501 : vector<16xf32> to vector<16xi32>
    %convert_element_type3A_503 = arith.sitofp %convert_element_type3A_502 : vector<16xi32> to vector<16xf32>
    %sub3A_504 = arith.subf %div3A_501, %convert_element_type3A_503 : vector<16xf32>
    %mul3A_505 = arith.constant 1024 : i32
    %mul3A_506 = vector.broadcast %mul3A_505 : i32 to vector<16xi32>
    %mul3A_507 = arith.muli %get3A_498, %mul3A_506 : vector<16xi32>
    %add3A_508 = arith.addi %mul3A_507, %convert_element_type3A_502 : vector<16xi32>
    %sub3A_509 = arith.constant 1.000000e+00 : f32
    %sub3A_510 = vector.broadcast %sub3A_509 : f32 to vector<16xf32>
    %sub3A_511 = arith.subf %sub3A_510, %sub3A_504 : vector<16xf32>
    tpu.vector_store_idx %arg7[%add3A_508], %sub3A_511 {add = true} : memref<2048xf32, #tpu.memory_space<vmem>>[vector<16xi32>], vector<16xf32>,
    %add3A_512 = arith.constant 1 : i32
    %add3A_513 = vector.broadcast %add3A_512 : i32 to vector<16xi32>
    %add3A_514 = arith.addi %add3A_508, %add3A_513 : vector<16xi32>
    tpu.vector_store_idx %arg7[%add3A_514], %sub3A_504 {add = true} : memref<2048xf32, #tpu.memory_space<vmem>>[vector<16xi32>], vector<16xf32>,
    %get3A_515 = arith.constant 208 : index
    %get3A_516 = tpu.vector_load %arg5[%get3A_515] {strides = array<i32>} : memref<512xf32, #tpu.memory_space<vmem>>, vector<16xf32>,
    %get3A_517 = arith.constant 208 : index
    %get3A_518 = tpu.vector_load %arg6[%get3A_517] {strides = array<i32>} : memref<512xi32, #tpu.memory_space<vmem>>, vector<16xi32>,
    %div3A_519 = arith.constant 0.00195694715 : f32
    %div3A_520 = vector.broadcast %div3A_519 : f32 to vector<16xf32>
    %div3A_521 = arith.divf %get3A_516, %div3A_520 : vector<16xf32>
    %convert_element_type3A_522 = arith.fptosi %div3A_521 : vector<16xf32> to vector<16xi32>
    %convert_element_type3A_523 = arith.sitofp %convert_element_type3A_522 : vector<16xi32> to vector<16xf32>
    %sub3A_524 = arith.subf %div3A_521, %convert_element_type3A_523 : vector<16xf32>
    %mul3A_525 = arith.constant 1024 : i32
    %mul3A_526 = vector.broadcast %mul3A_525 : i32 to vector<16xi32>
    %mul3A_527 = arith.muli %get3A_518, %mul3A_526 : vector<16xi32>
    %add3A_528 = arith.addi %mul3A_527, %convert_element_type3A_522 : vector<16xi32>
    %sub3A_529 = arith.constant 1.000000e+00 : f32
    %sub3A_530 = vector.broadcast %sub3A_529 : f32 to vector<16xf32>
    %sub3A_531 = arith.subf %sub3A_530, %sub3A_524 : vector<16xf32>
    tpu.vector_store_idx %arg7[%add3A_528], %sub3A_531 {add = true} : memref<2048xf32, #tpu.memory_space<vmem>>[vector<16xi32>], vector<16xf32>,
    %add3A_532 = arith.constant 1 : i32
    %add3A_533 = vector.broadcast %add3A_532 : i32 to vector<16xi32>
    %add3A_534 = arith.addi %add3A_528, %add3A_533 : vector<16xi32>
    tpu.vector_store_idx %arg7[%add3A_534], %sub3A_524 {add = true} : memref<2048xf32, #tpu.memory_space<vmem>>[vector<16xi32>], vector<16xf32>,
    %get3A_535 = arith.constant 224 : index
    %get3A_536 = tpu.vector_load %arg5[%get3A_535] {strides = array<i32>} : memref<512xf32, #tpu.memory_space<vmem>>, vector<16xf32>,
    %get3A_537 = arith.constant 224 : index
    %get3A_538 = tpu.vector_load %arg6[%get3A_537] {strides = array<i32>} : memref<512xi32, #tpu.memory_space<vmem>>, vector<16xi32>,
    %div3A_539 = arith.constant 0.00195694715 : f32
    %div3A_540 = vector.broadcast %div3A_539 : f32 to vector<16xf32>
    %div3A_541 = arith.divf %get3A_536, %div3A_540 : vector<16xf32>
    %convert_element_type3A_542 = arith.fptosi %div3A_541 : vector<16xf32> to vector<16xi32>
    %convert_element_type3A_543 = arith.sitofp %convert_element_type3A_542 : vector<16xi32> to vector<16xf32>
    %sub3A_544 = arith.subf %div3A_541, %convert_element_type3A_543 : vector<16xf32>
    %mul3A_545 = arith.constant 1024 : i32
    %mul3A_546 = vector.broadcast %mul3A_545 : i32 to vector<16xi32>
    %mul3A_547 = arith.muli %get3A_538, %mul3A_546 : vector<16xi32>
    %add3A_548 = arith.addi %mul3A_547, %convert_element_type3A_542 : vector<16xi32>
    %sub3A_549 = arith.constant 1.000000e+00 : f32
    %sub3A_550 = vector.broadcast %sub3A_549 : f32 to vector<16xf32>
    %sub3A_551 = arith.subf %sub3A_550, %sub3A_544 : vector<16xf32>
    tpu.vector_store_idx %arg7[%add3A_548], %sub3A_551 {add = true} : memref<2048xf32, #tpu.memory_space<vmem>>[vector<16xi32>], vector<16xf32>,
    %add3A_552 = arith.constant 1 : i32
    %add3A_553 = vector.broadcast %add3A_552 : i32 to vector<16xi32>
    %add3A_554 = arith.addi %add3A_548, %add3A_553 : vector<16xi32>
    tpu.vector_store_idx %arg7[%add3A_554], %sub3A_544 {add = true} : memref<2048xf32, #tpu.memory_space<vmem>>[vector<16xi32>], vector<16xf32>,
    %get3A_555 = arith.constant 240 : index
    %get3A_556 = tpu.vector_load %arg5[%get3A_555] {strides = array<i32>} : memref<512xf32, #tpu.memory_space<vmem>>, vector<16xf32>,
    %get3A_557 = arith.constant 240 : index
    %get3A_558 = tpu.vector_load %arg6[%get3A_557] {strides = array<i32>} : memref<512xi32, #tpu.memory_space<vmem>>, vector<16xi32>,
    %div3A_559 = arith.constant 0.00195694715 : f32
    %div3A_560 = vector.broadcast %div3A_559 : f32 to vector<16xf32>
    %div3A_561 = arith.divf %get3A_556, %div3A_560 : vector<16xf32>
    %convert_element_type3A_562 = arith.fptosi %div3A_561 : vector<16xf32> to vector<16xi32>
    %convert_element_type3A_563 = arith.sitofp %convert_element_type3A_562 : vector<16xi32> to vector<16xf32>
    %sub3A_564 = arith.subf %div3A_561, %convert_element_type3A_563 : vector<16xf32>
    %mul3A_565 = arith.constant 1024 : i32
    %mul3A_566 = vector.broadcast %mul3A_565 : i32 to vector<16xi32>
    %mul3A_567 = arith.muli %get3A_558, %mul3A_566 : vector<16xi32>
    %add3A_568 = arith.addi %mul3A_567, %convert_element_type3A_562 : vector<16xi32>
    %sub3A_569 = arith.constant 1.000000e+00 : f32
    %sub3A_570 = vector.broadcast %sub3A_569 : f32 to vector<16xf32>
    %sub3A_571 = arith.subf %sub3A_570, %sub3A_564 : vector<16xf32>
    tpu.vector_store_idx %arg7[%add3A_568], %sub3A_571 {add = true} : memref<2048xf32, #tpu.memory_space<vmem>>[vector<16xi32>], vector<16xf32>,
    %add3A_572 = arith.constant 1 : i32
    %add3A_573 = vector.broadcast %add3A_572 : i32 to vector<16xi32>
    %add3A_574 = arith.addi %add3A_568, %add3A_573 : vector<16xi32>
    tpu.vector_store_idx %arg7[%add3A_574], %sub3A_564 {add = true} : memref<2048xf32, #tpu.memory_space<vmem>>[vector<16xi32>], vector<16xf32>,
    %get3A_575 = arith.constant 256 : index
    %get3A_576 = tpu.vector_load %arg5[%get3A_575] {strides = array<i32>} : memref<512xf32, #tpu.memory_space<vmem>>, vector<16xf32>,
    %get3A_577 = arith.constant 256 : index
    %get3A_578 = tpu.vector_load %arg6[%get3A_577] {strides = array<i32>} : memref<512xi32, #tpu.memory_space<vmem>>, vector<16xi32>,
    %div3A_579 = arith.constant 0.00195694715 : f32
    %div3A_580 = vector.broadcast %div3A_579 : f32 to vector<16xf32>
    %div3A_581 = arith.divf %get3A_576, %div3A_580 : vector<16xf32>
    %convert_element_type3A_582 = arith.fptosi %div3A_581 : vector<16xf32> to vector<16xi32>
    %convert_element_type3A_583 = arith.sitofp %convert_element_type3A_582 : vector<16xi32> to vector<16xf32>
    %sub3A_584 = arith.subf %div3A_581, %convert_element_type3A_583 : vector<16xf32>
    %mul3A_585 = arith.constant 1024 : i32
    %mul3A_586 = vector.broadcast %mul3A_585 : i32 to vector<16xi32>
    %mul3A_587 = arith.muli %get3A_578, %mul3A_586 : vector<16xi32>
    %add3A_588 = arith.addi %mul3A_587, %convert_element_type3A_582 : vector<16xi32>
    %sub3A_589 = arith.constant 1.000000e+00 : f32
    %sub3A_590 = vector.broadcast %sub3A_589 : f32 to vector<16xf32>
    %sub3A_591 = arith.subf %sub3A_590, %sub3A_584 : vector<16xf32>
    tpu.vector_store_idx %arg7[%add3A_588], %sub3A_591 {add = true} : memref<2048xf32, #tpu.memory_space<vmem>>[vector<16xi32>], vector<16xf32>,
    %add3A_592 = arith.constant 1 : i32
    %add3A_593 = vector.broadcast %add3A_592 : i32 to vector<16xi32>
    %add3A_594 = arith.addi %add3A_588, %add3A_593 : vector<16xi32>
    tpu.vector_store_idx %arg7[%add3A_594], %sub3A_584 {add = true} : memref<2048xf32, #tpu.memory_space<vmem>>[vector<16xi32>], vector<16xf32>,
    %get3A_595 = arith.constant 272 : index
    %get3A_596 = tpu.vector_load %arg5[%get3A_595] {strides = array<i32>} : memref<512xf32, #tpu.memory_space<vmem>>, vector<16xf32>,
    %get3A_597 = arith.constant 272 : index
    %get3A_598 = tpu.vector_load %arg6[%get3A_597] {strides = array<i32>} : memref<512xi32, #tpu.memory_space<vmem>>, vector<16xi32>,
    %div3A_599 = arith.constant 0.00195694715 : f32
    %div3A_600 = vector.broadcast %div3A_599 : f32 to vector<16xf32>
    %div3A_601 = arith.divf %get3A_596, %div3A_600 : vector<16xf32>
    %convert_element_type3A_602 = arith.fptosi %div3A_601 : vector<16xf32> to vector<16xi32>
    %convert_element_type3A_603 = arith.sitofp %convert_element_type3A_602 : vector<16xi32> to vector<16xf32>
    %sub3A_604 = arith.subf %div3A_601, %convert_element_type3A_603 : vector<16xf32>
    %mul3A_605 = arith.constant 1024 : i32
    %mul3A_606 = vector.broadcast %mul3A_605 : i32 to vector<16xi32>
    %mul3A_607 = arith.muli %get3A_598, %mul3A_606 : vector<16xi32>
    %add3A_608 = arith.addi %mul3A_607, %convert_element_type3A_602 : vector<16xi32>
    %sub3A_609 = arith.constant 1.000000e+00 : f32
    %sub3A_610 = vector.broadcast %sub3A_609 : f32 to vector<16xf32>
    %sub3A_611 = arith.subf %sub3A_610, %sub3A_604 : vector<16xf32>
    tpu.vector_store_idx %arg7[%add3A_608], %sub3A_611 {add = true} : memref<2048xf32, #tpu.memory_space<vmem>>[vector<16xi32>], vector<16xf32>,
    %add3A_612 = arith.constant 1 : i32
    %add3A_613 = vector.broadcast %add3A_612 : i32 to vector<16xi32>
    %add3A_614 = arith.addi %add3A_608, %add3A_613 : vector<16xi32>
    tpu.vector_store_idx %arg7[%add3A_614], %sub3A_604 {add = true} : memref<2048xf32, #tpu.memory_space<vmem>>[vector<16xi32>], vector<16xf32>,
    %get3A_615 = arith.constant 288 : index
    %get3A_616 = tpu.vector_load %arg5[%get3A_615] {strides = array<i32>} : memref<512xf32, #tpu.memory_space<vmem>>, vector<16xf32>,
    %get3A_617 = arith.constant 288 : index
    %get3A_618 = tpu.vector_load %arg6[%get3A_617] {strides = array<i32>} : memref<512xi32, #tpu.memory_space<vmem>>, vector<16xi32>,
    %div3A_619 = arith.constant 0.00195694715 : f32
    %div3A_620 = vector.broadcast %div3A_619 : f32 to vector<16xf32>
    %div3A_621 = arith.divf %get3A_616, %div3A_620 : vector<16xf32>
    %convert_element_type3A_622 = arith.fptosi %div3A_621 : vector<16xf32> to vector<16xi32>
    %convert_element_type3A_623 = arith.sitofp %convert_element_type3A_622 : vector<16xi32> to vector<16xf32>
    %sub3A_624 = arith.subf %div3A_621, %convert_element_type3A_623 : vector<16xf32>
    %mul3A_625 = arith.constant 1024 : i32
    %mul3A_626 = vector.broadcast %mul3A_625 : i32 to vector<16xi32>
    %mul3A_627 = arith.muli %get3A_618, %mul3A_626 : vector<16xi32>
    %add3A_628 = arith.addi %mul3A_627, %convert_element_type3A_622 : vector<16xi32>
    %sub3A_629 = arith.constant 1.000000e+00 : f32
    %sub3A_630 = vector.broadcast %sub3A_629 : f32 to vector<16xf32>
    %sub3A_631 = arith.subf %sub3A_630, %sub3A_624 : vector<16xf32>
    tpu.vector_store_idx %arg7[%add3A_628], %sub3A_631 {add = true} : memref<2048xf32, #tpu.memory_space<vmem>>[vector<16xi32>], vector<16xf32>,
    %add3A_632 = arith.constant 1 : i32
    %add3A_633 = vector.broadcast %add3A_632 : i32 to vector<16xi32>
    %add3A_634 = arith.addi %add3A_628, %add3A_633 : vector<16xi32>
    tpu.vector_store_idx %arg7[%add3A_634], %sub3A_624 {add = true} : memref<2048xf32, #tpu.memory_space<vmem>>[vector<16xi32>], vector<16xf32>,
    %get3A_635 = arith.constant 304 : index
    %get3A_636 = tpu.vector_load %arg5[%get3A_635] {strides = array<i32>} : memref<512xf32, #tpu.memory_space<vmem>>, vector<16xf32>,
    %get3A_637 = arith.constant 304 : index
    %get3A_638 = tpu.vector_load %arg6[%get3A_637] {strides = array<i32>} : memref<512xi32, #tpu.memory_space<vmem>>, vector<16xi32>,
    %div3A_639 = arith.constant 0.00195694715 : f32
    %div3A_640 = vector.broadcast %div3A_639 : f32 to vector<16xf32>
    %div3A_641 = arith.divf %get3A_636, %div3A_640 : vector<16xf32>
    %convert_element_type3A_642 = arith.fptosi %div3A_641 : vector<16xf32> to vector<16xi32>
    %convert_element_type3A_643 = arith.sitofp %convert_element_type3A_642 : vector<16xi32> to vector<16xf32>
    %sub3A_644 = arith.subf %div3A_641, %convert_element_type3A_643 : vector<16xf32>
    %mul3A_645 = arith.constant 1024 : i32
    %mul3A_646 = vector.broadcast %mul3A_645 : i32 to vector<16xi32>
    %mul3A_647 = arith.muli %get3A_638, %mul3A_646 : vector<16xi32>
    %add3A_648 = arith.addi %mul3A_647, %convert_element_type3A_642 : vector<16xi32>
    %sub3A_649 = arith.constant 1.000000e+00 : f32
    %sub3A_650 = vector.broadcast %sub3A_649 : f32 to vector<16xf32>
    %sub3A_651 = arith.subf %sub3A_650, %sub3A_644 : vector<16xf32>
    tpu.vector_store_idx %arg7[%add3A_648], %sub3A_651 {add = true} : memref<2048xf32, #tpu.memory_space<vmem>>[vector<16xi32>], vector<16xf32>,
    %add3A_652 = arith.constant 1 : i32
    %add3A_653 = vector.broadcast %add3A_652 : i32 to vector<16xi32>
    %add3A_654 = arith.addi %add3A_648, %add3A_653 : vector<16xi32>
    tpu.vector_store_idx %arg7[%add3A_654], %sub3A_644 {add = true} : memref<2048xf32, #tpu.memory_space<vmem>>[vector<16xi32>], vector<16xf32>,
    %get3A_655 = arith.constant 320 : index
    %get3A_656 = tpu.vector_load %arg5[%get3A_655] {strides = array<i32>} : memref<512xf32, #tpu.memory_space<vmem>>, vector<16xf32>,
    %get3A_657 = arith.constant 320 : index
    %get3A_658 = tpu.vector_load %arg6[%get3A_657] {strides = array<i32>} : memref<512xi32, #tpu.memory_space<vmem>>, vector<16xi32>,
    %div3A_659 = arith.constant 0.00195694715 : f32
    %div3A_660 = vector.broadcast %div3A_659 : f32 to vector<16xf32>
    %div3A_661 = arith.divf %get3A_656, %div3A_660 : vector<16xf32>
    %convert_element_type3A_662 = arith.fptosi %div3A_661 : vector<16xf32> to vector<16xi32>
    %convert_element_type3A_663 = arith.sitofp %convert_element_type3A_662 : vector<16xi32> to vector<16xf32>
    %sub3A_664 = arith.subf %div3A_661, %convert_element_type3A_663 : vector<16xf32>
    %mul3A_665 = arith.constant 1024 : i32
    %mul3A_666 = vector.broadcast %mul3A_665 : i32 to vector<16xi32>
    %mul3A_667 = arith.muli %get3A_658, %mul3A_666 : vector<16xi32>
    %add3A_668 = arith.addi %mul3A_667, %convert_element_type3A_662 : vector<16xi32>
    %sub3A_669 = arith.constant 1.000000e+00 : f32
    %sub3A_670 = vector.broadcast %sub3A_669 : f32 to vector<16xf32>
    %sub3A_671 = arith.subf %sub3A_670, %sub3A_664 : vector<16xf32>
    tpu.vector_store_idx %arg7[%add3A_668], %sub3A_671 {add = true} : memref<2048xf32, #tpu.memory_space<vmem>>[vector<16xi32>], vector<16xf32>,
    %add3A_672 = arith.constant 1 : i32
    %add3A_673 = vector.broadcast %add3A_672 : i32 to vector<16xi32>
    %add3A_674 = arith.addi %add3A_668, %add3A_673 : vector<16xi32>
    tpu.vector_store_idx %arg7[%add3A_674], %sub3A_664 {add = true} : memref<2048xf32, #tpu.memory_space<vmem>>[vector<16xi32>], vector<16xf32>,
    %get3A_675 = arith.constant 336 : index
    %get3A_676 = tpu.vector_load %arg5[%get3A_675] {strides = array<i32>} : memref<512xf32, #tpu.memory_space<vmem>>, vector<16xf32>,
    %get3A_677 = arith.constant 336 : index
    %get3A_678 = tpu.vector_load %arg6[%get3A_677] {strides = array<i32>} : memref<512xi32, #tpu.memory_space<vmem>>, vector<16xi32>,
    %div3A_679 = arith.constant 0.00195694715 : f32
    %div3A_680 = vector.broadcast %div3A_679 : f32 to vector<16xf32>
    %div3A_681 = arith.divf %get3A_676, %div3A_680 : vector<16xf32>
    %convert_element_type3A_682 = arith.fptosi %div3A_681 : vector<16xf32> to vector<16xi32>
    %convert_element_type3A_683 = arith.sitofp %convert_element_type3A_682 : vector<16xi32> to vector<16xf32>
    %sub3A_684 = arith.subf %div3A_681, %convert_element_type3A_683 : vector<16xf32>
    %mul3A_685 = arith.constant 1024 : i32
    %mul3A_686 = vector.broadcast %mul3A_685 : i32 to vector<16xi32>
    %mul3A_687 = arith.muli %get3A_678, %mul3A_686 : vector<16xi32>
    %add3A_688 = arith.addi %mul3A_687, %convert_element_type3A_682 : vector<16xi32>
    %sub3A_689 = arith.constant 1.000000e+00 : f32
    %sub3A_690 = vector.broadcast %sub3A_689 : f32 to vector<16xf32>
    %sub3A_691 = arith.subf %sub3A_690, %sub3A_684 : vector<16xf32>
    tpu.vector_store_idx %arg7[%add3A_688], %sub3A_691 {add = true} : memref<2048xf32, #tpu.memory_space<vmem>>[vector<16xi32>], vector<16xf32>,
    %add3A_692 = arith.constant 1 : i32
    %add3A_693 = vector.broadcast %add3A_692 : i32 to vector<16xi32>
    %add3A_694 = arith.addi %add3A_688, %add3A_693 : vector<16xi32>
    tpu.vector_store_idx %arg7[%add3A_694], %sub3A_684 {add = true} : memref<2048xf32, #tpu.memory_space<vmem>>[vector<16xi32>], vector<16xf32>,
    %get3A_695 = arith.constant 352 : index
    %get3A_696 = tpu.vector_load %arg5[%get3A_695] {strides = array<i32>} : memref<512xf32, #tpu.memory_space<vmem>>, vector<16xf32>,
    %get3A_697 = arith.constant 352 : index
    %get3A_698 = tpu.vector_load %arg6[%get3A_697] {strides = array<i32>} : memref<512xi32, #tpu.memory_space<vmem>>, vector<16xi32>,
    %div3A_699 = arith.constant 0.00195694715 : f32
    %div3A_700 = vector.broadcast %div3A_699 : f32 to vector<16xf32>
    %div3A_701 = arith.divf %get3A_696, %div3A_700 : vector<16xf32>
    %convert_element_type3A_702 = arith.fptosi %div3A_701 : vector<16xf32> to vector<16xi32>
    %convert_element_type3A_703 = arith.sitofp %convert_element_type3A_702 : vector<16xi32> to vector<16xf32>
    %sub3A_704 = arith.subf %div3A_701, %convert_element_type3A_703 : vector<16xf32>
    %mul3A_705 = arith.constant 1024 : i32
    %mul3A_706 = vector.broadcast %mul3A_705 : i32 to vector<16xi32>
    %mul3A_707 = arith.muli %get3A_698, %mul3A_706 : vector<16xi32>
    %add3A_708 = arith.addi %mul3A_707, %convert_element_type3A_702 : vector<16xi32>
    %sub3A_709 = arith.constant 1.000000e+00 : f32
    %sub3A_710 = vector.broadcast %sub3A_709 : f32 to vector<16xf32>
    %sub3A_711 = arith.subf %sub3A_710, %sub3A_704 : vector<16xf32>
    tpu.vector_store_idx %arg7[%add3A_708], %sub3A_711 {add = true} : memref<2048xf32, #tpu.memory_space<vmem>>[vector<16xi32>], vector<16xf32>,
    %add3A_712 = arith.constant 1 : i32
    %add3A_713 = vector.broadcast %add3A_712 : i32 to vector<16xi32>
    %add3A_714 = arith.addi %add3A_708, %add3A_713 : vector<16xi32>
    tpu.vector_store_idx %arg7[%add3A_714], %sub3A_704 {add = true} : memref<2048xf32, #tpu.memory_space<vmem>>[vector<16xi32>], vector<16xf32>,
    %get3A_715 = arith.constant 368 : index
    %get3A_716 = tpu.vector_load %arg5[%get3A_715] {strides = array<i32>} : memref<512xf32, #tpu.memory_space<vmem>>, vector<16xf32>,
    %get3A_717 = arith.constant 368 : index
    %get3A_718 = tpu.vector_load %arg6[%get3A_717] {strides = array<i32>} : memref<512xi32, #tpu.memory_space<vmem>>, vector<16xi32>,
    %div3A_719 = arith.constant 0.00195694715 : f32
    %div3A_720 = vector.broadcast %div3A_719 : f32 to vector<16xf32>
    %div3A_721 = arith.divf %get3A_716, %div3A_720 : vector<16xf32>
    %convert_element_type3A_722 = arith.fptosi %div3A_721 : vector<16xf32> to vector<16xi32>
    %convert_element_type3A_723 = arith.sitofp %convert_element_type3A_722 : vector<16xi32> to vector<16xf32>
    %sub3A_724 = arith.subf %div3A_721, %convert_element_type3A_723 : vector<16xf32>
    %mul3A_725 = arith.constant 1024 : i32
    %mul3A_726 = vector.broadcast %mul3A_725 : i32 to vector<16xi32>
    %mul3A_727 = arith.muli %get3A_718, %mul3A_726 : vector<16xi32>
    %add3A_728 = arith.addi %mul3A_727, %convert_element_type3A_722 : vector<16xi32>
    %sub3A_729 = arith.constant 1.000000e+00 : f32
    %sub3A_730 = vector.broadcast %sub3A_729 : f32 to vector<16xf32>
    %sub3A_731 = arith.subf %sub3A_730, %sub3A_724 : vector<16xf32>
    tpu.vector_store_idx %arg7[%add3A_728], %sub3A_731 {add = true} : memref<2048xf32, #tpu.memory_space<vmem>>[vector<16xi32>], vector<16xf32>,
    %add3A_732 = arith.constant 1 : i32
    %add3A_733 = vector.broadcast %add3A_732 : i32 to vector<16xi32>
    %add3A_734 = arith.addi %add3A_728, %add3A_733 : vector<16xi32>
    tpu.vector_store_idx %arg7[%add3A_734], %sub3A_724 {add = true} : memref<2048xf32, #tpu.memory_space<vmem>>[vector<16xi32>], vector<16xf32>,
    %get3A_735 = arith.constant 384 : index
    %get3A_736 = tpu.vector_load %arg5[%get3A_735] {strides = array<i32>} : memref<512xf32, #tpu.memory_space<vmem>>, vector<16xf32>,
    %get3A_737 = arith.constant 384 : index
    %get3A_738 = tpu.vector_load %arg6[%get3A_737] {strides = array<i32>} : memref<512xi32, #tpu.memory_space<vmem>>, vector<16xi32>,
    %div3A_739 = arith.constant 0.00195694715 : f32
    %div3A_740 = vector.broadcast %div3A_739 : f32 to vector<16xf32>
    %div3A_741 = arith.divf %get3A_736, %div3A_740 : vector<16xf32>
    %convert_element_type3A_742 = arith.fptosi %div3A_741 : vector<16xf32> to vector<16xi32>
    %convert_element_type3A_743 = arith.sitofp %convert_element_type3A_742 : vector<16xi32> to vector<16xf32>
    %sub3A_744 = arith.subf %div3A_741, %convert_element_type3A_743 : vector<16xf32>
    %mul3A_745 = arith.constant 1024 : i32
    %mul3A_746 = vector.broadcast %mul3A_745 : i32 to vector<16xi32>
    %mul3A_747 = arith.muli %get3A_738, %mul3A_746 : vector<16xi32>
    %add3A_748 = arith.addi %mul3A_747, %convert_element_type3A_742 : vector<16xi32>
    %sub3A_749 = arith.constant 1.000000e+00 : f32
    %sub3A_750 = vector.broadcast %sub3A_749 : f32 to vector<16xf32>
    %sub3A_751 = arith.subf %sub3A_750, %sub3A_744 : vector<16xf32>
    tpu.vector_store_idx %arg7[%add3A_748], %sub3A_751 {add = true} : memref<2048xf32, #tpu.memory_space<vmem>>[vector<16xi32>], vector<16xf32>,
    %add3A_752 = arith.constant 1 : i32
    %add3A_753 = vector.broadcast %add3A_752 : i32 to vector<16xi32>
    %add3A_754 = arith.addi %add3A_748, %add3A_753 : vector<16xi32>
    tpu.vector_store_idx %arg7[%add3A_754], %sub3A_744 {add = true} : memref<2048xf32, #tpu.memory_space<vmem>>[vector<16xi32>], vector<16xf32>,
    %get3A_755 = arith.constant 400 : index
    %get3A_756 = tpu.vector_load %arg5[%get3A_755] {strides = array<i32>} : memref<512xf32, #tpu.memory_space<vmem>>, vector<16xf32>,
    %get3A_757 = arith.constant 400 : index
    %get3A_758 = tpu.vector_load %arg6[%get3A_757] {strides = array<i32>} : memref<512xi32, #tpu.memory_space<vmem>>, vector<16xi32>,
    %div3A_759 = arith.constant 0.00195694715 : f32
    %div3A_760 = vector.broadcast %div3A_759 : f32 to vector<16xf32>
    %div3A_761 = arith.divf %get3A_756, %div3A_760 : vector<16xf32>
    %convert_element_type3A_762 = arith.fptosi %div3A_761 : vector<16xf32> to vector<16xi32>
    %convert_element_type3A_763 = arith.sitofp %convert_element_type3A_762 : vector<16xi32> to vector<16xf32>
    %sub3A_764 = arith.subf %div3A_761, %convert_element_type3A_763 : vector<16xf32>
    %mul3A_765 = arith.constant 1024 : i32
    %mul3A_766 = vector.broadcast %mul3A_765 : i32 to vector<16xi32>
    %mul3A_767 = arith.muli %get3A_758, %mul3A_766 : vector<16xi32>
    %add3A_768 = arith.addi %mul3A_767, %convert_element_type3A_762 : vector<16xi32>
    %sub3A_769 = arith.constant 1.000000e+00 : f32
    %sub3A_770 = vector.broadcast %sub3A_769 : f32 to vector<16xf32>
    %sub3A_771 = arith.subf %sub3A_770, %sub3A_764 : vector<16xf32>
    tpu.vector_store_idx %arg7[%add3A_768], %sub3A_771 {add = true} : memref<2048xf32, #tpu.memory_space<vmem>>[vector<16xi32>], vector<16xf32>,
    %add3A_772 = arith.constant 1 : i32
    %add3A_773 = vector.broadcast %add3A_772 : i32 to vector<16xi32>
    %add3A_774 = arith.addi %add3A_768, %add3A_773 : vector<16xi32>
    tpu.vector_store_idx %arg7[%add3A_774], %sub3A_764 {add = true} : memref<2048xf32, #tpu.memory_space<vmem>>[vector<16xi32>], vector<16xf32>,
    %get3A_775 = arith.constant 416 : index
    %get3A_776 = tpu.vector_load %arg5[%get3A_775] {strides = array<i32>} : memref<512xf32, #tpu.memory_space<vmem>>, vector<16xf32>,
    %get3A_777 = arith.constant 416 : index
    %get3A_778 = tpu.vector_load %arg6[%get3A_777] {strides = array<i32>} : memref<512xi32, #tpu.memory_space<vmem>>, vector<16xi32>,
    %div3A_779 = arith.constant 0.00195694715 : f32
    %div3A_780 = vector.broadcast %div3A_779 : f32 to vector<16xf32>
    %div3A_781 = arith.divf %get3A_776, %div3A_780 : vector<16xf32>
    %convert_element_type3A_782 = arith.fptosi %div3A_781 : vector<16xf32> to vector<16xi32>
    %convert_element_type3A_783 = arith.sitofp %convert_element_type3A_782 : vector<16xi32> to vector<16xf32>
    %sub3A_784 = arith.subf %div3A_781, %convert_element_type3A_783 : vector<16xf32>
    %mul3A_785 = arith.constant 1024 : i32
    %mul3A_786 = vector.broadcast %mul3A_785 : i32 to vector<16xi32>
    %mul3A_787 = arith.muli %get3A_778, %mul3A_786 : vector<16xi32>
    %add3A_788 = arith.addi %mul3A_787, %convert_element_type3A_782 : vector<16xi32>
    %sub3A_789 = arith.constant 1.000000e+00 : f32
    %sub3A_790 = vector.broadcast %sub3A_789 : f32 to vector<16xf32>
    %sub3A_791 = arith.subf %sub3A_790, %sub3A_784 : vector<16xf32>
    tpu.vector_store_idx %arg7[%add3A_788], %sub3A_791 {add = true} : memref<2048xf32, #tpu.memory_space<vmem>>[vector<16xi32>], vector<16xf32>,
    %add3A_792 = arith.constant 1 : i32
    %add3A_793 = vector.broadcast %add3A_792 : i32 to vector<16xi32>
    %add3A_794 = arith.addi %add3A_788, %add3A_793 : vector<16xi32>
    tpu.vector_store_idx %arg7[%add3A_794], %sub3A_784 {add = true} : memref<2048xf32, #tpu.memory_space<vmem>>[vector<16xi32>], vector<16xf32>,
    %get3A_795 = arith.constant 432 : index
    %get3A_796 = tpu.vector_load %arg5[%get3A_795] {strides = array<i32>} : memref<512xf32, #tpu.memory_space<vmem>>, vector<16xf32>,
    %get3A_797 = arith.constant 432 : index
    %get3A_798 = tpu.vector_load %arg6[%get3A_797] {strides = array<i32>} : memref<512xi32, #tpu.memory_space<vmem>>, vector<16xi32>,
    %div3A_799 = arith.constant 0.00195694715 : f32
    %div3A_800 = vector.broadcast %div3A_799 : f32 to vector<16xf32>
    %div3A_801 = arith.divf %get3A_796, %div3A_800 : vector<16xf32>
    %convert_element_type3A_802 = arith.fptosi %div3A_801 : vector<16xf32> to vector<16xi32>
    %convert_element_type3A_803 = arith.sitofp %convert_element_type3A_802 : vector<16xi32> to vector<16xf32>
    %sub3A_804 = arith.subf %div3A_801, %convert_element_type3A_803 : vector<16xf32>
    %mul3A_805 = arith.constant 1024 : i32
    %mul3A_806 = vector.broadcast %mul3A_805 : i32 to vector<16xi32>
    %mul3A_807 = arith.muli %get3A_798, %mul3A_806 : vector<16xi32>
    %add3A_808 = arith.addi %mul3A_807, %convert_element_type3A_802 : vector<16xi32>
    %sub3A_809 = arith.constant 1.000000e+00 : f32
    %sub3A_810 = vector.broadcast %sub3A_809 : f32 to vector<16xf32>
    %sub3A_811 = arith.subf %sub3A_810, %sub3A_804 : vector<16xf32>
    tpu.vector_store_idx %arg7[%add3A_808], %sub3A_811 {add = true} : memref<2048xf32, #tpu.memory_space<vmem>>[vector<16xi32>], vector<16xf32>,
    %add3A_812 = arith.constant 1 : i32
    %add3A_813 = vector.broadcast %add3A_812 : i32 to vector<16xi32>
    %add3A_814 = arith.addi %add3A_808, %add3A_813 : vector<16xi32>
    tpu.vector_store_idx %arg7[%add3A_814], %sub3A_804 {add = true} : memref<2048xf32, #tpu.memory_space<vmem>>[vector<16xi32>], vector<16xf32>,
    %get3A_815 = arith.constant 448 : index
    %get3A_816 = tpu.vector_load %arg5[%get3A_815] {strides = array<i32>} : memref<512xf32, #tpu.memory_space<vmem>>, vector<16xf32>,
    %get3A_817 = arith.constant 448 : index
    %get3A_818 = tpu.vector_load %arg6[%get3A_817] {strides = array<i32>} : memref<512xi32, #tpu.memory_space<vmem>>, vector<16xi32>,
    %div3A_819 = arith.constant 0.00195694715 : f32
    %div3A_820 = vector.broadcast %div3A_819 : f32 to vector<16xf32>
    %div3A_821 = arith.divf %get3A_816, %div3A_820 : vector<16xf32>
    %convert_element_type3A_822 = arith.fptosi %div3A_821 : vector<16xf32> to vector<16xi32>
    %convert_element_type3A_823 = arith.sitofp %convert_element_type3A_822 : vector<16xi32> to vector<16xf32>
    %sub3A_824 = arith.subf %div3A_821, %convert_element_type3A_823 : vector<16xf32>
    %mul3A_825 = arith.constant 1024 : i32
    %mul3A_826 = vector.broadcast %mul3A_825 : i32 to vector<16xi32>
    %mul3A_827 = arith.muli %get3A_818, %mul3A_826 : vector<16xi32>
    %add3A_828 = arith.addi %mul3A_827, %convert_element_type3A_822 : vector<16xi32>
    %sub3A_829 = arith.constant 1.000000e+00 : f32
    %sub3A_830 = vector.broadcast %sub3A_829 : f32 to vector<16xf32>
    %sub3A_831 = arith.subf %sub3A_830, %sub3A_824 : vector<16xf32>
    tpu.vector_store_idx %arg7[%add3A_828], %sub3A_831 {add = true} : memref<2048xf32, #tpu.memory_space<vmem>>[vector<16xi32>], vector<16xf32>,
    %add3A_832 = arith.constant 1 : i32
    %add3A_833 = vector.broadcast %add3A_832 : i32 to vector<16xi32>
    %add3A_834 = arith.addi %add3A_828, %add3A_833 : vector<16xi32>
    tpu.vector_store_idx %arg7[%add3A_834], %sub3A_824 {add = true} : memref<2048xf32, #tpu.memory_space<vmem>>[vector<16xi32>], vector<16xf32>,
    %get3A_835 = arith.constant 464 : index
    %get3A_836 = tpu.vector_load %arg5[%get3A_835] {strides = array<i32>} : memref<512xf32, #tpu.memory_space<vmem>>, vector<16xf32>,
    %get3A_837 = arith.constant 464 : index
    %get3A_838 = tpu.vector_load %arg6[%get3A_837] {strides = array<i32>} : memref<512xi32, #tpu.memory_space<vmem>>, vector<16xi32>,
    %div3A_839 = arith.constant 0.00195694715 : f32
    %div3A_840 = vector.broadcast %div3A_839 : f32 to vector<16xf32>
    %div3A_841 = arith.divf %get3A_836, %div3A_840 : vector<16xf32>
    %convert_element_type3A_842 = arith.fptosi %div3A_841 : vector<16xf32> to vector<16xi32>
    %convert_element_type3A_843 = arith.sitofp %convert_element_type3A_842 : vector<16xi32> to vector<16xf32>
    %sub3A_844 = arith.subf %div3A_841, %convert_element_type3A_843 : vector<16xf32>
    %mul3A_845 = arith.constant 1024 : i32
    %mul3A_846 = vector.broadcast %mul3A_845 : i32 to vector<16xi32>
    %mul3A_847 = arith.muli %get3A_838, %mul3A_846 : vector<16xi32>
    %add3A_848 = arith.addi %mul3A_847, %convert_element_type3A_842 : vector<16xi32>
    %sub3A_849 = arith.constant 1.000000e+00 : f32
    %sub3A_850 = vector.broadcast %sub3A_849 : f32 to vector<16xf32>
    %sub3A_851 = arith.subf %sub3A_850, %sub3A_844 : vector<16xf32>
    tpu.vector_store_idx %arg7[%add3A_848], %sub3A_851 {add = true} : memref<2048xf32, #tpu.memory_space<vmem>>[vector<16xi32>], vector<16xf32>,
    %add3A_852 = arith.constant 1 : i32
    %add3A_853 = vector.broadcast %add3A_852 : i32 to vector<16xi32>
    %add3A_854 = arith.addi %add3A_848, %add3A_853 : vector<16xi32>
    tpu.vector_store_idx %arg7[%add3A_854], %sub3A_844 {add = true} : memref<2048xf32, #tpu.memory_space<vmem>>[vector<16xi32>], vector<16xf32>,
    %get3A_855 = arith.constant 480 : index
    %get3A_856 = tpu.vector_load %arg5[%get3A_855] {strides = array<i32>} : memref<512xf32, #tpu.memory_space<vmem>>, vector<16xf32>,
    %get3A_857 = arith.constant 480 : index
    %get3A_858 = tpu.vector_load %arg6[%get3A_857] {strides = array<i32>} : memref<512xi32, #tpu.memory_space<vmem>>, vector<16xi32>,
    %div3A_859 = arith.constant 0.00195694715 : f32
    %div3A_860 = vector.broadcast %div3A_859 : f32 to vector<16xf32>
    %div3A_861 = arith.divf %get3A_856, %div3A_860 : vector<16xf32>
    %convert_element_type3A_862 = arith.fptosi %div3A_861 : vector<16xf32> to vector<16xi32>
    %convert_element_type3A_863 = arith.sitofp %convert_element_type3A_862 : vector<16xi32> to vector<16xf32>
    %sub3A_864 = arith.subf %div3A_861, %convert_element_type3A_863 : vector<16xf32>
    %mul3A_865 = arith.constant 1024 : i32
    %mul3A_866 = vector.broadcast %mul3A_865 : i32 to vector<16xi32>
    %mul3A_867 = arith.muli %get3A_858, %mul3A_866 : vector<16xi32>
    %add3A_868 = arith.addi %mul3A_867, %convert_element_type3A_862 : vector<16xi32>
    %sub3A_869 = arith.constant 1.000000e+00 : f32
    %sub3A_870 = vector.broadcast %sub3A_869 : f32 to vector<16xf32>
    %sub3A_871 = arith.subf %sub3A_870, %sub3A_864 : vector<16xf32>
    tpu.vector_store_idx %arg7[%add3A_868], %sub3A_871 {add = true} : memref<2048xf32, #tpu.memory_space<vmem>>[vector<16xi32>], vector<16xf32>,
    %add3A_872 = arith.constant 1 : i32
    %add3A_873 = vector.broadcast %add3A_872 : i32 to vector<16xi32>
    %add3A_874 = arith.addi %add3A_868, %add3A_873 : vector<16xi32>
    tpu.vector_store_idx %arg7[%add3A_874], %sub3A_864 {add = true} : memref<2048xf32, #tpu.memory_space<vmem>>[vector<16xi32>], vector<16xf32>,
    %get3A_875 = arith.constant 496 : index
    %get3A_876 = tpu.vector_load %arg5[%get3A_875] {strides = array<i32>} : memref<512xf32, #tpu.memory_space<vmem>>, vector<16xf32>,
    %get3A_877 = arith.constant 496 : index
    %get3A_878 = tpu.vector_load %arg6[%get3A_877] {strides = array<i32>} : memref<512xi32, #tpu.memory_space<vmem>>, vector<16xi32>,
    %div3A_879 = arith.constant 0.00195694715 : f32
    %div3A_880 = vector.broadcast %div3A_879 : f32 to vector<16xf32>
    %div3A_881 = arith.divf %get3A_876, %div3A_880 : vector<16xf32>
    %convert_element_type3A_882 = arith.fptosi %div3A_881 : vector<16xf32> to vector<16xi32>
    %convert_element_type3A_883 = arith.sitofp %convert_element_type3A_882 : vector<16xi32> to vector<16xf32>
    %sub3A_884 = arith.subf %div3A_881, %convert_element_type3A_883 : vector<16xf32>
    %mul3A_885 = arith.constant 1024 : i32
    %mul3A_886 = vector.broadcast %mul3A_885 : i32 to vector<16xi32>
    %mul3A_887 = arith.muli %get3A_878, %mul3A_886 : vector<16xi32>
    %add3A_888 = arith.addi %mul3A_887, %convert_element_type3A_882 : vector<16xi32>
    %sub3A_889 = arith.constant 1.000000e+00 : f32
    %sub3A_890 = vector.broadcast %sub3A_889 : f32 to vector<16xf32>
    %sub3A_891 = arith.subf %sub3A_890, %sub3A_884 : vector<16xf32>
    tpu.vector_store_idx %arg7[%add3A_888], %sub3A_891 {add = true} : memref<2048xf32, #tpu.memory_space<vmem>>[vector<16xi32>], vector<16xf32>,
    %add3A_892 = arith.constant 1 : i32
    %add3A_893 = vector.broadcast %add3A_892 : i32 to vector<16xi32>
    %add3A_894 = arith.addi %add3A_888, %add3A_893 : vector<16xi32>
    tpu.vector_store_idx %arg7[%add3A_894], %sub3A_884 {add = true} : memref<2048xf32, #tpu.memory_space<vmem>>[vector<16xi32>], vector<16xf32>,
    "tpu.region"() ({
      %run_scoped3A = tpu.sem_alloc : memref<!tpu.dma_semaphore, #tpu.memory_space<semaphore_mem>>
      %dma_start3A = arith.constant 0 : i32
      %dma_start3A_895 = tpu.memref_slice %arg4[%add3A, %dma_start3A] : memref<32x2048xf32, #tpu.memory_space<hbm>> -> memref<1x2048xf32, #tpu.memory_space<hbm>>
      %dma_start3A_896 = tpu.memref_squeeze %dma_start3A_895 : memref<1x2048xf32, #tpu.memory_space<hbm>> -> memref<2048xf32, #tpu.memory_space<hbm>>
      %dma_start3A_897 = arith.constant 0 : i32
      %dma_start3A_898 = tpu.memref_slice %arg4[%add3A, %dma_start3A_897] : memref<32x2048xf32, #tpu.memory_space<hbm>> -> memref<1x2048xf32, #tpu.memory_space<hbm>>
      %dma_start3A_899 = tpu.memref_squeeze %dma_start3A_898 : memref<1x2048xf32, #tpu.memory_space<hbm>> -> memref<2048xf32, #tpu.memory_space<hbm>>
      tpu.enqueue_dma source(%arg7 : memref<2048xf32, #tpu.memory_space<vmem>>) target(%dma_start3A_899 : memref<2048xf32, #tpu.memory_space<hbm>>) target_semaphore(%run_scoped3A : memref<!tpu.dma_semaphore, #tpu.memory_space<semaphore_mem>>)
      %dma_wait3A = arith.constant 0 : i32
      %dma_wait3A_900 = tpu.memref_slice %arg4[%add3A, %dma_wait3A] : memref<32x2048xf32, #tpu.memory_space<hbm>> -> memref<1x2048xf32, #tpu.memory_space<hbm>>
      %dma_wait3A_901 = tpu.memref_squeeze %dma_wait3A_900 : memref<1x2048xf32, #tpu.memory_space<hbm>> -> memref<2048xf32, #tpu.memory_space<hbm>>
      %dma_wait3A_902 = arith.constant 0 : i32
      %dma_wait3A_903 = tpu.memref_slice %arg4[%add3A, %dma_wait3A_902] : memref<32x2048xf32, #tpu.memory_space<hbm>> -> memref<1x2048xf32, #tpu.memory_space<hbm>>
      %dma_wait3A_904 = tpu.memref_squeeze %dma_wait3A_903 : memref<1x2048xf32, #tpu.memory_space<hbm>> -> memref<2048xf32, #tpu.memory_space<hbm>>
      tpu.wait_dma2 semaphore(%run_scoped3A : memref<!tpu.dma_semaphore, #tpu.memory_space<semaphore_mem>>) src(%arg7 : memref<2048xf32, #tpu.memory_space<vmem>>) dst(%dma_wait3A_904 : memref<2048xf32, #tpu.memory_space<hbm>>)
      tpu.yield
    }) : () -> ()
    return
  }
}

module attributes {stable_mosaic.version = 14 : i64} {
  func.func @_cos_body(%arg0: i32, %arg1: memref<32x128x128xf32, #tpu.memory_space<vmem>>, %arg2: memref<32x128x128xf32, #tpu.memory_space<vmem>>, %arg3: memref<32x128xf32, #tpu.memory_space<vmem>>) attributes {dimension_semantics = [#tpu.dimension_semantics<arbitrary>], iteration_bounds = array<i64: 4>, scalar_prefetch = 0 : i64, scratch_operands = 0 : i64, tpu.core_type = #tpu.core_type<tc>, window_params = [{transform_indices = @transform_0, window_bounds = array<i64: 32, 128, 128>}, {transform_indices = @transform_1, window_bounds = array<i64: 32, 128, 128>}, {transform_indices = @transform_2, window_bounds = array<i64: 32, 128>}]} {
    %get3A = arith.constant 0 : index
    %get3A_0 = arith.constant 0 : index
    %get3A_1 = arith.constant 0 : index
    %get3A_2 = vector.load %arg1[%get3A, %get3A_0, %get3A_1] : memref<32x128x128xf32, #tpu.memory_space<vmem>>, vector<32x128x128xf32>
    %get3A_3 = arith.constant 0 : index
    %get3A_4 = arith.constant 0 : index
    %get3A_5 = arith.constant 0 : index
    %get3A_6 = vector.load %arg2[%get3A_3, %get3A_4, %get3A_5] : memref<32x128x128xf32, #tpu.memory_space<vmem>>, vector<32x128x128xf32>
    %mul3A = arith.mulf %get3A_2, %get3A_6 : vector<32x128x128xf32>
    %reduce_sum3A = arith.constant dense<0.000000e+00> : vector<32x128xf32>
    %reduce_sum3A_7 = vector.multi_reduction <add>, %mul3A, %reduce_sum3A [2] : vector<32x128x128xf32> to vector<32x128xf32>
    %mul3A_8 = arith.mulf %get3A_2, %get3A_2 : vector<32x128x128xf32>
    %reduce_sum3A_9 = arith.constant dense<0.000000e+00> : vector<32x128xf32>
    %reduce_sum3A_10 = vector.multi_reduction <add>, %mul3A_8, %reduce_sum3A_9 [2] : vector<32x128x128xf32> to vector<32x128xf32>
    %mul3A_11 = arith.mulf %get3A_6, %get3A_6 : vector<32x128x128xf32>
    %reduce_sum3A_12 = arith.constant dense<0.000000e+00> : vector<32x128xf32>
    %reduce_sum3A_13 = vector.multi_reduction <add>, %mul3A_11, %reduce_sum3A_12 [2] : vector<32x128x128xf32> to vector<32x128xf32>
    %sqrt3A = math.sqrt %reduce_sum3A_10 : vector<32x128xf32>
    %sqrt3A_14 = math.sqrt %reduce_sum3A_13 : vector<32x128xf32>
    %mul3A_15 = arith.mulf %sqrt3A, %sqrt3A_14 : vector<32x128xf32>
    %add3A = arith.constant 9.99999993E-9 : f32
    %add3A_16 = vector.broadcast %add3A : f32 to vector<32x128xf32>
    %add3A_17 = arith.addf %mul3A_15, %add3A_16 : vector<32x128xf32>
    %div3A = arith.divf %reduce_sum3A_7, %add3A_17 : vector<32x128xf32>
    %jit3A = arith.constant 0.000000e+00 : f32
    %jit3A_18 = arith.constant 1.000000e+00 : f32
    %max3A = vector.broadcast %jit3A : f32 to vector<32x128xf32>
    %max3A_19 = arith.maximumf %max3A, %div3A : vector<32x128xf32>
    %min3A = vector.broadcast %jit3A_18 : f32 to vector<32x128xf32>
    %min3A_20 = arith.minimumf %min3A, %max3A_19 : vector<32x128xf32>
    %swap3A = arith.constant 0 : index
    %swap3A_21 = arith.constant 0 : index
    %swap3A_22 = vector.load %arg3[%swap3A, %swap3A_21] : memref<32x128xf32, #tpu.memory_space<vmem>>, vector<32x128xf32>
    tpu.vector_store %arg3[%swap3A, %swap3A_21], %min3A_20 {strides = array<i32>} : memref<32x128xf32, #tpu.memory_space<vmem>>, vector<32x128xf32>,
    return
  }
  func.func @transform_0(%arg0: i32) -> (i32, i32, i32) {
    %c0_i32 = arith.constant 0 : i32
    %c0_i32_0 = arith.constant 0 : i32
    %c0_i32_1 = arith.constant 0 : i32
    return %arg0, %c0_i32, %c0_i32_0 : i32, i32, i32
  }
  func.func @transform_1(%arg0: i32) -> (i32, i32, i32) {
    %c0_i32 = arith.constant 0 : i32
    %c0_i32_0 = arith.constant 0 : i32
    %c0_i32_1 = arith.constant 0 : i32
    return %arg0, %c0_i32, %c0_i32_0 : i32, i32, i32
  }
  func.func @transform_2(%arg0: i32) -> (i32, i32) {
    %c0_i32 = arith.constant 0 : i32
    %c0_i32_0 = arith.constant 0 : i32
    return %arg0, %c0_i32 : i32, i32
  }
}

module attributes {stable_mosaic.version = 14 : i64} {
  func.func @_loss_body(%arg0: memref<32x2048xf32, #tpu.memory_space<vmem>>, %arg1: memref<128x128xi32, #tpu.memory_space<vmem>>, %arg2: memref<1x1xf32, #tpu.memory_space<vmem>>) attributes {dimension_semantics = [], scalar_prefetch = 0 : i64, scratch_operands = 0 : i64, tpu.core_type = #tpu.core_type<tc>} {
    %get3A = arith.constant 0 : index
    %get3A_0 = arith.constant 0 : index
    %get3A_1 = vector.load %arg0[%get3A, %get3A_0] : memref<32x2048xf32, #tpu.memory_space<vmem>>, vector<32x2048xf32>
    %reduce_sum3A = arith.constant dense<0.000000e+00> : vector<2048xf32>
    %reduce_sum3A_2 = vector.multi_reduction <add>, %get3A_1, %reduce_sum3A [0] : vector<32x2048xf32> to vector<2048xf32>
    %get3A_3 = arith.constant 0 : index
    %get3A_4 = arith.constant 0 : index
    %get3A_5 = vector.load %arg1[%get3A_3, %get3A_4] : memref<128x128xi32, #tpu.memory_space<vmem>>, vector<128x128xi32>
    %convert_element_type3A = arith.sitofp %get3A_5 : vector<128x128xi32> to vector<128x128xf32>
    %reduce_sum3A_6 = vector.shape_cast %convert_element_type3A : vector<128x128xf32> to vector<1x128x128xf32>
    %reduce_sum3A_7 = arith.constant dense<0.000000e+00> : vector<1xf32>
    %reduce_sum3A_8 = vector.multi_reduction <add>, %reduce_sum3A_6, %reduce_sum3A_7 [1, 2] : vector<1x128x128xf32> to vector<1xf32>
    %reduce_sum3A_9 = vector.shape_cast %reduce_sum3A_8 : vector<1xf32> to vector<1x1x1xf32>
    %reduce_sum3A_10 = vector.extract %reduce_sum3A_9[0, 0, 0] : f32 from vector<1x1x1xf32>
    %sub3A = arith.constant 1.638400e+04 : f32
    %sub3A_11 = arith.subf %sub3A, %reduce_sum3A_10 : f32
    %slice3A = vector.extract_strided_slice %reduce_sum3A_2 {offsets = [0], sizes = [512], strides = [1]} : vector<2048xf32> to vector<512xf32>
    %max3A = arith.constant 1.000000e+00 : f32
    %max3A_12 = arith.maximumf %sub3A_11, %max3A : f32
    %div3A = vector.broadcast %max3A_12 : f32 to vector<512xf32>
    %div3A_13 = arith.divf %slice3A, %div3A : vector<512xf32>
    %slice3A_14 = vector.extract_strided_slice %reduce_sum3A_2 {offsets = [1024], sizes = [512], strides = [1]} : vector<2048xf32> to vector<512xf32>
    %max3A_15 = arith.constant 1.000000e+00 : f32
    %max3A_16 = arith.maximumf %reduce_sum3A_10, %max3A_15 : f32
    %div3A_17 = vector.broadcast %max3A_16 : f32 to vector<512xf32>
    %div3A_18 = arith.divf %slice3A_14, %div3A_17 : vector<512xf32>
    %reshape3A = vector.shape_cast %div3A_13 : vector<512xf32> to vector<1x512xf32>
    %reshape3A_19 = vector.shape_cast %div3A_18 : vector<512xf32> to vector<1x512xf32>
    %iota3A = tpu.iota {dimensions = array<i32: 0>} : vector<512x512xi32>
    %iota3A_20 = tpu.iota {dimensions = array<i32: 1>} : vector<512x512xi32>
    %le3A = arith.cmpi sle, %iota3A_20, %iota3A : vector<512x512xi32>
    %convert_element_type3A_21 = arith.extui %le3A : vector<512x512xi1> to vector<512x512xi32>
    %convert_element_type3A_22 = arith.sitofp %convert_element_type3A_21 : vector<512x512xi32> to vector<512x512xf32>
    %dot_general3A = arith.constant dense<0.000000e+00> : vector<1x512xf32>
    %dot_general3A_23 = tpu.matmul %reshape3A, %convert_element_type3A_22, %dot_general3A {dimension_numbers = #tpu.dot_dimension_numbers<[1], [0], [0], [1], [0, 0, 1, 1], [], []>, transpose_lhs_hint = false} : vector<1x512xf32>, vector<512x512xf32>, vector<1x512xf32> -> vector<1x512xf32>
    %mul3A = arith.mulf %dot_general3A_23, %reshape3A_19 : vector<1x512xf32>
    %reduce_sum3A_24 = vector.shape_cast %mul3A : vector<1x512xf32> to vector<1x1x512xf32>
    %reduce_sum3A_25 = arith.constant dense<0.000000e+00> : vector<1xf32>
    %reduce_sum3A_26 = vector.multi_reduction <add>, %reduce_sum3A_24, %reduce_sum3A_25 [1, 2] : vector<1x1x512xf32> to vector<1xf32>
    %reduce_sum3A_27 = vector.shape_cast %reduce_sum3A_26 : vector<1xf32> to vector<1x1x1xf32>
    %reduce_sum3A_28 = vector.extract %reduce_sum3A_27[0, 0, 0] : f32 from vector<1x1x1xf32>
    %reshape3A_29 = vector.broadcast %reduce_sum3A_28 : f32 to vector<1x1xf32>
    %swap3A = arith.constant 0 : index
    %swap3A_30 = arith.constant 0 : index
    %swap3A_31 = vector.load %arg2[%swap3A, %swap3A_30] : memref<1x1xf32, #tpu.memory_space<vmem>>, vector<1x1xf32>
    tpu.vector_store %arg2[%swap3A, %swap3A_30], %reshape3A_29 {strides = array<i32>} : memref<1x1xf32, #tpu.memory_space<vmem>>, vector<1x1xf32>,
    return
  }
}

</mosaic_0001>

<sc_bundles>
// kernel: kernel.5.cloned.1.call-start
scs
__scs_entry_jumppad:
0x0: {  	(pc) =	sbr.rel $0x88, $3  }
0x1: {  	(tag) =	ssettag $0x0;
	lr =	simm.s32 $0x1  }
0x2: {  	[smem:$0x3F9E] =	sst lr;
	_ =	strace $0xD0000000  }
0x3: {  	_ = 	snop  }
0x4: {  	_ = 	snop  }
0x5: {  	_ = 	snop  }
0x6: {  	_ = 	snop  }
0x7: {  	_ = 	snop  }
__scs_overlays_trampoline_lowered:
0x8: {  	[smem:$0x3FAD] =	sst s0  }
0x9: {  	[smem:$0x3FAE] =	sst s1  }
0xa: {  	[smem:$0x3FAF] =	sst s2  }
0xb: {  	[smem:$0x3FB0] =	sst s3  }
0xc: {  	[smem:$0x3FB1] =	sst s4  }
0xd: {  	[smem:$0x3FB2] =	sst s5  }
0xe: {  	[smem:$0x3FB3] =	sst s6  }
0xf: {  	[smem:$0x3FB4] =	sst s7  }
0x10: {  	[smem:$0x3FB5] =	sst s8  }
0x11: {  	[smem:$0x3FB6] =	sst s9;
	s0 =	simm.s32 @!p0 $0x0  }
0x12: {  	s1 =	sld [smem:$0x3F9C];
	s0 =	simm.s32 @p0 $0x1  }
0x13: {  	[smem:$0x3FB7] =	sst s0;
	s0 =	simm.s32 @!p1 $0x0  }
0x14: {  	s2 =	sld [smem:$0x3F9B];
	s0 =	simm.s32 @p1 $0x1  }
0x15: {  	[smem:$0x3FB8] =	sst s0;
	s0 =	simm.s32 @!p2 $0x0  }
0x16: {  	s3 =	sld [smem:$0x3FDB];
	s0 =	simm.s32 @p2 $0x1  }
0x17: {  	s4 =	simm.s32 $0x1BF5;
	[smem:$0x3FBA] =	sst s0  }
0x18: {  	s0 =	sld [smem:$0x3F9D];
	_ =	swait.ge [sflag:s4], $0x0  }
0x19: {  	s7 =	sld [smem:$0x3F9E]  }
0x1a: {  	s8 =	sadd.s32 $0xFFFFE003, lr  }
0x1b: {  	s9 =	sadd.s32 $0xFFFFFEF7, lr;
	s5 =	simm.s32 $0xFFFFFFFF;
	p2 =	slt.u32 s8, $0xFFFFF086  }
0x1c: {  	p1 =	slt.u32 s9, $0xF7A;
	s5 =	simm.s32 @!p2 $0x0  }
0x1d: {  	s5 =	simm.s32 @p1 $0x1;
	p0 =	seq.s32 s7, s2  }
0x1e: {  	s7 =	smul.u32 @!p0 $0xF7A, s2;
	p2 =	seq.s32 @!p0 s5, $0x0  }
0x1f: {  	s9 =	smul.u32 $0xF7A, s1;
	s8 =	simm.s32 @!p0 $0x1BF5;
	p2 =	por !p2, p0  }
0x20: {  	[sflag:s8] =	ssyncset.s32 @!p0 $0xFFFFF086;
	s6 =	sadd.s32 @!p0 s3, s7;
	s7 =	simm.s32 @!p0 $0x108  }
0x21: {  	s3 =	sadd.s32 s3, s9;
	s6 =	sadd.s32 @!p0 $0x88, s6;
	s7 =	simm.s32 @p2 $0x1082  }
0x22: {  	[simem:s7], [sflag:s8] =	dma.local @!p0 [hbm:s6], $0xF7A  }
0x23: {  	s9 =	sor.u32 $0xD0000000, s2;
	s6 =	simm.s32 $0x108;
	_ =	swait.ge @!p0 [sflag:s8], $0x0  }
0x24: {  	s3 =	sadd.s32 $0x88, s3;
	s6 =	simm.s32 @!p1 $0x1082;
	[sflag:s4] =	ssyncset.s32 $0xFFFFF086  }
0x25: {  	[simem:s6], [sflag:s4] =	dma.local [hbm:s3], $0xF7A  }
0x26: {  	[smem:$0x3F9E] =	sst s1;
	(tag) =	ssettag s2;
	_ =	strace s9  }
0x27: {  	s1 =	sld [smem:$0x3FAE]  }
0x28: {  	s2 =	sld [smem:$0x3FAF]  }
0x29: {  	s4 =	sld [smem:$0x3FB1]  }
0x2a: {  	p0 =	seq.s32 s5, $0x0;
	s5 =	sld [smem:$0x3FB2]  }
0x2b: {  	s6 =	sld [smem:$0x3FB3]  }
0x2c: {  	s7 =	sld [smem:$0x3FB4]  }
0x2d: {  	s3 =	simm.s32 $0x108;
	s8 =	sld [smem:$0x3FB5]  }
0x2e: {  	s3 =	simm.s32 @!p0 $0x1082;
	s9 =	sld [smem:$0x3FB6]  }
0x2f: {  	lr =	sadd.s32 s0, s3;
	s0 =	sld [smem:$0x3FAD]  }
0x30: {  	s3 =	sld [smem:$0x3FB0]  }
0x31: {  	[smem:$0x3FB9] =	sst s10  }
0x32: {  	s10 =	sld [smem:$0x3FB7];
	_ =	sdelay $0x3  }
0x33: {  	p0 =	seq.s32 s10, $0x1;
	s10 =	sld [smem:$0x3FB9];
	_ =	sdelay $0x3  }
0x34: {  	[smem:$0x3FB9] =	sst s10  }
0x35: {  	s10 =	sld [smem:$0x3FB8];
	_ =	sdelay $0x3  }
0x36: {  	p1 =	seq.s32 s10, $0x1;
	s10 =	sld [smem:$0x3FB9];
	_ =	sdelay $0x3  }
0x37: {  	[smem:$0x3FB9] =	sst s10  }
0x38: {  	s10 =	sld [smem:$0x3FBA]  }
0x39: {  	_ = 	snop;
	(pc) =	sbr.ind lr, $3  }
0x3a: {  	_ = 	snop  }
0x3b: {  	_ = 	snop  }
0x3c: {  	p2 =	seq.s32 s10, $0x1;
	s10 =	sld [smem:$0x3FB9]  }
0x3d: {  	_ =	shalt  }
0x3e: {  	_ =	shalt  }
0x3f: {  	_ =	shalt  }
0x40: {  	_ =	shalt  }
0x41: {  	_ =	shalt  }
0x42: {  	_ =	shalt  }
0x43: {  	_ =	shalt  }
0x44: {  	_ =	shalt  }
0x45: {  	_ =	shalt  }
0x46: {  	_ =	shalt  }
0x47: {  	_ =	shalt  }
0x48: {  	_ =	shalt  }
0x49: {  	_ =	shalt  }
0x4a: {  	_ =	shalt  }
0x4b: {  	_ =	shalt  }
0x4c: {  	_ =	shalt  }
0x4d: {  	_ =	shalt  }
0x4e: {  	_ =	shalt  }
0x4f: {  	_ =	shalt  }
0x50: {  	_ =	shalt  }
0x51: {  	_ =	shalt  }
0x52: {  	_ =	shalt  }
0x53: {  	_ =	shalt  }
0x54: {  	_ =	shalt  }
0x55: {  	_ =	shalt  }
0x56: {  	_ =	shalt  }
0x57: {  	_ =	shalt  }
0x58: {  	_ =	shalt  }
0x59: {  	_ =	shalt  }
0x5a: {  	_ =	shalt  }
0x5b: {  	_ =	shalt  }
0x5c: {  	_ =	shalt  }
0x5d: {  	_ =	shalt  }
0x5e: {  	_ =	shalt  }
0x5f: {  	_ =	shalt  }
0x60: {  	_ =	shalt  }
0x61: {  	_ =	shalt  }
0x62: {  	_ =	shalt  }
0x63: {  	_ =	shalt  }
0x64: {  	_ =	shalt  }
0x65: {  	_ =	shalt  }
0x66: {  	_ =	shalt  }
0x67: {  	_ =	shalt  }
0x68: {  	_ =	shalt  }
0x69: {  	_ =	shalt  }
0x6a: {  	_ =	shalt  }
0x6b: {  	_ =	shalt  }
0x6c: {  	_ =	shalt  }
0x6d: {  	_ =	shalt  }
0x6e: {  	_ =	shalt  }
0x6f: {  	_ =	shalt  }
0x70: {  	_ =	shalt  }
0x71: {  	_ =	shalt  }
0x72: {  	_ =	shalt  }
0x73: {  	_ =	shalt  }
0x74: {  	_ =	shalt  }
0x75: {  	_ =	shalt  }
0x76: {  	_ =	shalt  }
0x77: {  	_ =	shalt  }
0x78: {  	_ =	shalt  }
0x79: {  	_ =	shalt  }
0x7a: {  	_ =	shalt  }
0x7b: {  	_ =	shalt  }
0x7c: {  	_ =	shalt  }
0x7d: {  	_ =	shalt  }
0x7e: {  	_ =	shalt  }
0x7f: {  	_ =	shalt  }
0x80: {  	_ =	shalt  }
0x81: {  	_ =	shalt  }
0x82: {  	_ =	shalt  }
0x83: {  	_ =	shalt  }
0x84: {  	_ =	shalt  }
0x85: {  	_ =	shalt  }
0x86: {  	_ =	shalt  }
0x87: {  	_ =	shalt  }
.Lfunc_end0:
.L_simem_size_0:
called_computation_lowered:
.L_overlay_start_0:
0x88: {  	s2 =	sld [smem:$0x3FD9]  }
0x89: {  	s3 =	sld [smem:$0x3FFE];
	_ =	sdelay $0x1  }
0x8a: {  	s1 =	srdreg.scid  }
0x8b: {  	s0 =	sand.u32 $0x1, s1  }
0x8c: {  	s17 =	sshll.u32 s0, $0xA;
	s2 =	sadd.s32 s3, s2  }
0x8d: {  	s2 =	sadd.s32 s2, s17  }
0x8e: {  	[smem:$0x3FC5] =	sst s2  }
0x8f: {  	_ = 	snop  }
0x90: {  	s2 =	sld [smem:$0x3FC7];
	(tm) =	ssettm $0x1  }
0x91: {  	s18 =	sld [smem:$0x3FFB];
	_ =	sdelay $0x3  }
0x92: {  	_ =	strace s18  }
0x93: {  	s3 =	sld [smem:$0x3FFC];
	_ =	sdelay $0x3  }
0x94: {  	_ =	strace s3  }
0x95: {  	s3 =	sld [smem:$0x3FFD];
	_ =	sdelay $0x3  }
0x96: {  	_ =	strace s3  }
0x97: {  	_ =	strace $0x8FFFFFFF  }
0x98: {  	s19 =	sld [smem:$0x3FDB];
	_ =	sdelay $0x1  }
0x99: {  	s4 =	simm.s32 $_scs_section_size  }
0x9a: {  	s5 =	simm.s32 $_size__tile_overlayer_lowered;
	s6 =	simm.s32 $_tile_overlayer_lowered  }
0x9b: {  	s22 =	simm.s32 $0x1BFF;
	s21 =	sshll.u32 s6, $0x1;
	s3 =	sadd.s32 s4, s19  }
0x9c: {  	s7 =	simm.s32 $0x0;
	s20 =	sshll.u32 s5, $0x1;
	s5 =	sadd.s32 s21, s3  }
0x9d: {  	[timem:s7], [sflag:s22] =	dma.local [hbm:s5], s20  }
0x9e: {  	_ =	swait.ge [sflag:s22], s20  }
0x9f: {  	s4 =	ssub.s32 $0x0, s20;
	[sflag:s22] =	ssyncset.done $0x0  }
0xa0: {  	[sflag:s22] =	ssyncadd.s32 s4;
	_ =	sdelay $0x1  }
0xa1: {  	s23 =	simm.s32 $0x1B8B  }
0xa2: {  	_ =	swait.ge [sflag:s23], $0x1  }
0xa3: {  	[sflag:s23] =	ssyncset.done $0x0  }
0xa4: {  	s25 =	simm.s32 $0x1B8E;
	s24 =	sld [smem:$0x3FFE];
	[sflag:s23] =	ssyncadd.s32 $0xFFFFFFFF  }
0xa5: {  	s26 =	simm.s32 $execute0_lowered;
	[smem:$0x3FD2] =	sst s25  }
0xa6: {  	s5 =	sshll.u32 s26, $0x1;
	_ =	strace $0x80000046;
	[dreg:$0x1] =	wrdreg $0xFFFFFFFF  }
0xa7: {  	s28 =	simm.s32 $_size_execute0_lowered;
	s3 =	sadd.s32 s3, s5;
	[dreg:$0x0] =	wrdreg $0x0  }
0xa8: {  	s5 =	sshll.u32 s28, $0x1;
	[dreg:$0x2] =	wrdreg s3  }
0xa9: {  	[dreg:$0x3] =	wrdreg s5  }
0xaa: {  	[dreg:$0x4] =	wrdreg $0xC0  }
0xab: {  	_ =	task [dreg:s7], $0x5FFFF  }
0xac: {  	[dreg:$0x1] =	wrdreg $0xFFFFFFFF  }
0xad: {  	[dreg:$0x0] =	wrdreg $0x60  }
0xae: {  	[dreg:$0x2] =	wrdreg s24  }
0xaf: {  	[dreg:$0x3] =	wrdreg s2  }
0xb0: {  	[dreg:$0x4] =	wrdreg $0x9  }
0xb1: {  	_ =	task.clear_ibuf [dreg:s7], $0x5FFFF;
	_ =	strace $0x90000046  }
0xb2: {  	s29 =	simm.s32 $0x9;
	_ =	strace $0x80000048  }
0xb3: {  	_ =	swait.ge [sflag:s29], $0x1  }
0xb4: {  	[sflag:s29] =	ssyncadd.s32 $0xFFFFFFFF  }
0xb5: {  	_ =	strace $0x90000048  }
0xb6: {  	_ =	sfence  }
0xb7: {  	s30 =	sld [smem:$0x0];
	_ =	sdelay $0x2  }
0xb8: {  	s31 =	sshll.u32 s1, $0xD;
	s1 =	sshrl.u32 s1, $0x2  }
0xb9: {  	s3 =	sand.u32 $0x4000, s31;
	s1 =	sadd.s32 s1, s30  }
0xba: {  	s0 =	sor.u32 s3, s0;
	s1 =	sshll.u32 s1, $0x11  }
0xbb: {  	s0 =	sor.u32 s1, s0  }
0xbc: {  	s0 =	sadd.s32 $0x8F2B, s0  }
0xbd: {  	[sflag:s0] =	ssyncadd.remote.s32 $0x1  }
0xbe: {  	_ =	sfence.sel $0xFFFF  }
0xbf: {  	[dreg:$0x0] =	wrdreg $0xFFFFFFFF;
	(pc) =	sbr.abs _section_cstart, $3  }
0xc0: {  	[dreg:$0x1] =	wrdreg $0xFFFFFFFF  }
0xc1: {  	_ =	task.clear_ibuf [dreg:s7], $0x2FFFF;
	_ =	strace $0x9FFFFFFF  }
0xc2: {  	(tm) =	ssettm $0x7FFFFFFF  }
0xc3: {  	_ =	shalt  }
tec
execute0_lowered:
.L_overlay_start_1:
0x0: {  	(tag) =	ssettag $0x1  }
0x1: {  	s3 =	rddreg [dreg:$0x0]  }
0x2: {  	s4 =	rddreg [dreg:$0x1];
	s1 =	simm.s32 $0x0  }
0x3: {  	[smem:$0x7FF] =	sst s1  }
0x4: {  	s0 =	rddreg [dreg:$0x2];
	v0 =	vimm.f32 $1.956947150e-03;
	_ =	strace $0x80000047  }
0x5: {  	(erf) = vrcp.f32 v0  }
0x6: {  	s5 =	srdreg.scid;
	s2 =	stileid.u32  }
0x7: {  	s5 =	sand.u32 $0x1, s5;
	s6 =	sshll.u32 s2, $0x1  }
0x8: {  	s9 =	sshll.u32 s2, $0x9;
	s6 =	sor.u32 s5, s6  }
0x9: {  	s5 =	ssub.s32 $0x2, s5;
	s9 =	sand.u32 $0x1800, s9;
	s7 =	sshll.u32 s6, $0x6  }
0xa: {  	s10 =	sshrl.u32 s5, $0x1;
	s6 =	sshll.u32 s6, $0x4;
	s9 =	sadd.s32 s9, s3  }
0xb: {  	s8 =	sadd.s32 s7, s3;
	s10 =	ssub.s32 s5, s10;
	s31 =	sand.u32 $0x70, s6  }
0xc: {  	s4 =	sadd.s32 s4, s7;
	s7 =	simm.s32 $0x1;
	s3 =	sadd.s32 $0xE00, s8  }
0xd: {  	s5 =	sadd.s32 s31, s9;
	s6 =	smax.u32 s10, $0x1;
	s8 =	simm.s32 $0x200  }
0xe: {  	v1 =	vimm.f32 $0.0e+00;
	s9 =	simm.s32 $0x400;
	s10 =	simm.s32 $0x80;
	s5 =	sadd.s32 $0x1600, s5;
	v0 =	vpop (erf)  }
.LBB2_1:
0xf: {  	[tilespmem:s1], [sflag:$0x1] =	stream.linear.gather [hbm4b:s3+s1], $0x200, $0x38;
	[tilespmem:$0xC00] =	vst v63  }
0x10: {  	_ =	swait.ge [sflag:s7], $0x200  }
0x11: {  	[sflag:s7] =	ssyncset.done $0x0  }
0x12: {  	[sflag:s7] =	ssyncadd.s32 $0xFFFFFE00  }
0x13: {  	[tilespmem:s8], [sflag:$0x1] =	stream.linear.gather [hbm4b:s4+s1], $0x200, $0x38;
	[tilespmem:$0xC00] =	vst v63  }
0x14: {  	_ =	swait.ge [sflag:s7], $0x200  }
0x15: {  	[sflag:s7] =	ssyncset.done $0x0  }
0x16: {  	[sflag:s7] =	ssyncadd.s32 $0xFFFFFE00  }
0x17: {  	[tilespmem:$0x400] =	vst v1  }
0x18: {  	[tilespmem:$0x410] =	vst v1  }
0x19: {  	[tilespmem:$0x420] =	vst v1  }
0x1a: {  	[tilespmem:$0x430] =	vst v1  }
0x1b: {  	[tilespmem:$0x440] =	vst v1  }
0x1c: {  	[tilespmem:$0x450] =	vst v1  }
0x1d: {  	[tilespmem:$0x460] =	vst v1  }
0x1e: {  	[tilespmem:$0x470] =	vst v1  }
0x1f: {  	[tilespmem:$0x480] =	vst v1  }
0x20: {  	[tilespmem:$0x490] =	vst v1  }
0x21: {  	[tilespmem:$0x4A0] =	vst v1  }
0x22: {  	[tilespmem:$0x4B0] =	vst v1  }
0x23: {  	[tilespmem:$0x4C0] =	vst v1  }
0x24: {  	[tilespmem:$0x4D0] =	vst v1  }
0x25: {  	[tilespmem:$0x4E0] =	vst v1  }
0x26: {  	[tilespmem:$0x4F0] =	vst v1  }
0x27: {  	[tilespmem:$0x500] =	vst v1  }
0x28: {  	[tilespmem:$0x510] =	vst v1  }
0x29: {  	[tilespmem:$0x520] =	vst v1  }
0x2a: {  	[tilespmem:$0x530] =	vst v1  }
0x2b: {  	[tilespmem:$0x540] =	vst v1  }
0x2c: {  	[tilespmem:$0x550] =	vst v1  }
0x2d: {  	[tilespmem:$0x560] =	vst v1  }
0x2e: {  	[tilespmem:$0x570] =	vst v1  }
0x2f: {  	[tilespmem:$0x580] =	vst v1  }
0x30: {  	[tilespmem:$0x590] =	vst v1  }
0x31: {  	[tilespmem:$0x5A0] =	vst v1  }
0x32: {  	[tilespmem:$0x5B0] =	vst v1  }
0x33: {  	[tilespmem:$0x5C0] =	vst v1  }
0x34: {  	[tilespmem:$0x5D0] =	vst v1  }
0x35: {  	[tilespmem:$0x5E0] =	vst v1  }
0x36: {  	[tilespmem:$0x5F0] =	vst v1  }
0x37: {  	[tilespmem:$0x600] =	vst v1  }
0x38: {  	[tilespmem:$0x610] =	vst v1  }
0x39: {  	[tilespmem:$0x620] =	vst v1  }
0x3a: {  	[tilespmem:$0x630] =	vst v1  }
0x3b: {  	[tilespmem:$0x640] =	vst v1  }
0x3c: {  	[tilespmem:$0x650] =	vst v1  }
0x3d: {  	[tilespmem:$0x660] =	vst v1  }
0x3e: {  	[tilespmem:$0x670] =	vst v1  }
0x3f: {  	[tilespmem:$0x680] =	vst v1  }
0x40: {  	[tilespmem:$0x690] =	vst v1  }
0x41: {  	[tilespmem:$0x6A0] =	vst v1  }
0x42: {  	[tilespmem:$0x6B0] =	vst v1  }
0x43: {  	[tilespmem:$0x6C0] =	vst v1  }
0x44: {  	[tilespmem:$0x6D0] =	vst v1  }
0x45: {  	[tilespmem:$0x6E0] =	vst v1  }
0x46: {  	[tilespmem:$0x6F0] =	vst v1  }
0x47: {  	[tilespmem:$0x700] =	vst v1  }
0x48: {  	[tilespmem:$0x710] =	vst v1  }
0x49: {  	[tilespmem:$0x720] =	vst v1  }
0x4a: {  	[tilespmem:$0x730] =	vst v1  }
0x4b: {  	[tilespmem:$0x740] =	vst v1  }
0x4c: {  	[tilespmem:$0x750] =	vst v1  }
0x4d: {  	[tilespmem:$0x760] =	vst v1  }
0x4e: {  	[tilespmem:$0x770] =	vst v1  }
0x4f: {  	[tilespmem:$0x780] =	vst v1  }
0x50: {  	[tilespmem:$0x790] =	vst v1  }
0x51: {  	[tilespmem:$0x7A0] =	vst v1  }
0x52: {  	[tilespmem:$0x7B0] =	vst v1  }
0x53: {  	[tilespmem:$0x7C0] =	vst v1  }
0x54: {  	[tilespmem:$0x7D0] =	vst v1  }
0x55: {  	[tilespmem:$0x7E0] =	vst v1  }
0x56: {  	[tilespmem:$0x7F0] =	vst v1  }
0x57: {  	[tilespmem:$0x800] =	vst v1  }
0x58: {  	[tilespmem:$0x810] =	vst v1  }
0x59: {  	[tilespmem:$0x820] =	vst v1  }
0x5a: {  	[tilespmem:$0x830] =	vst v1  }
0x5b: {  	[tilespmem:$0x840] =	vst v1  }
0x5c: {  	[tilespmem:$0x850] =	vst v1  }
0x5d: {  	[tilespmem:$0x860] =	vst v1  }
0x5e: {  	[tilespmem:$0x870] =	vst v1  }
0x5f: {  	[tilespmem:$0x880] =	vst v1  }
0x60: {  	[tilespmem:$0x890] =	vst v1  }
0x61: {  	[tilespmem:$0x8A0] =	vst v1  }
0x62: {  	[tilespmem:$0x8B0] =	vst v1  }
0x63: {  	[tilespmem:$0x8C0] =	vst v1  }
0x64: {  	[tilespmem:$0x8D0] =	vst v1  }
0x65: {  	[tilespmem:$0x8E0] =	vst v1  }
0x66: {  	[tilespmem:$0x8F0] =	vst v1  }
0x67: {  	[tilespmem:$0x900] =	vst v1  }
0x68: {  	[tilespmem:$0x910] =	vst v1  }
0x69: {  	[tilespmem:$0x920] =	vst v1  }
0x6a: {  	[tilespmem:$0x930] =	vst v1  }
0x6b: {  	[tilespmem:$0x940] =	vst v1  }
0x6c: {  	[tilespmem:$0x950] =	vst v1  }
0x6d: {  	[tilespmem:$0x960] =	vst v1  }
0x6e: {  	[tilespmem:$0x970] =	vst v1  }
0x6f: {  	[tilespmem:$0x980] =	vst v1  }
0x70: {  	[tilespmem:$0x990] =	vst v1  }
0x71: {  	[tilespmem:$0x9A0] =	vst v1  }
0x72: {  	[tilespmem:$0x9B0] =	vst v1  }
0x73: {  	[tilespmem:$0x9C0] =	vst v1  }
0x74: {  	[tilespmem:$0x9D0] =	vst v1  }
0x75: {  	[tilespmem:$0x9E0] =	vst v1  }
0x76: {  	[tilespmem:$0x9F0] =	vst v1  }
0x77: {  	[tilespmem:$0xA00] =	vst v1  }
0x78: {  	[tilespmem:$0xA10] =	vst v1  }
0x79: {  	[tilespmem:$0xA20] =	vst v1  }
0x7a: {  	[tilespmem:$0xA30] =	vst v1  }
0x7b: {  	[tilespmem:$0xA40] =	vst v1  }
0x7c: {  	[tilespmem:$0xA50] =	vst v1  }
0x7d: {  	[tilespmem:$0xA60] =	vst v1  }
0x7e: {  	[tilespmem:$0xA70] =	vst v1  }
0x7f: {  	[tilespmem:$0xA80] =	vst v1  }
0x80: {  	[tilespmem:$0xA90] =	vst v1  }
0x81: {  	[tilespmem:$0xAA0] =	vst v1  }
0x82: {  	[tilespmem:$0xAB0] =	vst v1  }
0x83: {  	[tilespmem:$0xAC0] =	vst v1  }
0x84: {  	[tilespmem:$0xAD0] =	vst v1  }
0x85: {  	[tilespmem:$0xAE0] =	vst v1  }
0x86: {  	[tilespmem:$0xAF0] =	vst v1  }
0x87: {  	[tilespmem:$0xB00] =	vst v1;
	v2 =	vld [tilespmem:$0x0]  }
0x88: {  	[tilespmem:$0xB10] =	vst v1  }
0x89: {  	[tilespmem:$0xB20] =	vst v1  }
0x8a: {  	[tilespmem:$0xB30] =	vst v1  }
0x8b: {  	[tilespmem:$0xB40] =	vst v1  }
0x8c: {  	[tilespmem:$0xB50] =	vst v1;
	v3 =	vld [tilespmem:$0x200];
	v2 =	vmul.f32 v2, v0  }
0x8d: {  	[tilespmem:$0xB60] =	vst v1  }
0x8e: {  	[tilespmem:$0xB70] =	vst v1;
	v4 =	vtrunc.f32 v2  }
0x8f: {  	[tilespmem:$0xB80] =	vst v1;
	v4 =	vcvt.f32.s32 v4  }
0x90: {  	[tilespmem:$0xB90] =	vst v1  }
0x91: {  	[tilespmem:$0xBA0] =	vst v1;
	v3 =	vshll.u32 v3, $0xA;
	v5 =	vcvt.s32.f32 v4  }
0x92: {  	[tilespmem:$0xBB0] =	vst v1;
	v3 =	vadd.s32 v4, v3  }
0x93: {  	[tilespmem:$0xBC0] =	vst v1;
	v4 =	vadd.s32 $0x1, v3;
	v2 =	vsub.f32 v2, v5  }
0x94: {  	[tilespmem:$0xBD0] =	vst v1  }
0x95: {  	[tilespmem:$0xBE0] =	vst v1;
	v5 =	vsub.f32 $1.000000000e+00, v2  }
0x96: {  	[tilespmem:$0xBF0] =	vst v1  }
0x97: {  	[tilespmem:v3+s9+$0x0] =	vst.idx.add.f32.msk $0xffff, v5  }
0x98: {  	[tilespmem:v4+s9+$0x0] =	vst.idx.add.f32.msk $0xffff, v2  }
0x99: {  	v2 =	vld [tilespmem:$0x10];
	_ =	sdelay $0x4  }
0x9a: {  	v3 =	vld [tilespmem:$0x210];
	v2 =	vmul.f32 v2, v0;
	_ =	sdelay $0x1  }
0x9b: {  	v58 =	vtrunc.f32 v2  }
0x9c: {  	v4 =	vcvt.f32.s32 v58;
	_ =	sdelay $0x1  }
0x9d: {  	v3 =	vshll.u32 v3, $0xA;
	v59 =	vcvt.s32.f32 v4  }
0x9e: {  	v3 =	vadd.s32 v4, v3  }
0x9f: {  	v4 =	vadd.s32 $0x1, v3;
	v2 =	vsub.f32 v2, v59;
	_ =	sdelay $0x1  }
0xa0: {  	v5 =	vsub.f32 $1.000000000e+00, v2;
	_ =	sdelay $0x1  }
0xa1: {  	[tilespmem:v3+s9+$0x0] =	vst.idx.add.f32.msk $0xffff, v5  }
0xa2: {  	[tilespmem:v4+s9+$0x0] =	vst.idx.add.f32.msk $0xffff, v2  }
0xa3: {  	v2 =	vld [tilespmem:$0x20];
	_ =	sdelay $0x4  }
0xa4: {  	v3 =	vld [tilespmem:$0x220];
	v2 =	vmul.f32 v2, v0;
	_ =	sdelay $0x1  }
0xa5: {  	v60 =	vtrunc.f32 v2  }
0xa6: {  	v4 =	vcvt.f32.s32 v60;
	_ =	sdelay $0x1  }
0xa7: {  	v3 =	vshll.u32 v3, $0xA;
	v61 =	vcvt.s32.f32 v4  }
0xa8: {  	v3 =	vadd.s32 v4, v3  }
0xa9: {  	v4 =	vadd.s32 $0x1, v3;
	v2 =	vsub.f32 v2, v61;
	_ =	sdelay $0x1  }
0xaa: {  	v5 =	vsub.f32 $1.000000000e+00, v2;
	_ =	sdelay $0x1  }
0xab: {  	[tilespmem:v3+s9+$0x0] =	vst.idx.add.f32.msk $0xffff, v5  }
0xac: {  	[tilespmem:v4+s9+$0x0] =	vst.idx.add.f32.msk $0xffff, v2  }
0xad: {  	v2 =	vld [tilespmem:$0x30];
	_ =	sdelay $0x4  }
0xae: {  	v3 =	vld [tilespmem:$0x230];
	v2 =	vmul.f32 v2, v0;
	_ =	sdelay $0x1  }
0xaf: {  	v62 =	vtrunc.f32 v2  }
0xb0: {  	v4 =	vcvt.f32.s32 v62;
	_ =	sdelay $0x1  }
0xb1: {  	v3 =	vshll.u32 v3, $0xA;
	v63 =	vcvt.s32.f32 v4  }
0xb2: {  	v3 =	vadd.s32 v4, v3  }
0xb3: {  	v4 =	vadd.s32 $0x1, v3;
	v2 =	vsub.f32 v2, v63;
	_ =	sdelay $0x1  }
0xb4: {  	v5 =	vsub.f32 $1.000000000e+00, v2;
	_ =	sdelay $0x1  }
0xb5: {  	[tilespmem:v3+s9+$0x0] =	vst.idx.add.f32.msk $0xffff, v5  }
0xb6: {  	[tilespmem:v4+s9+$0x0] =	vst.idx.add.f32.msk $0xffff, v2  }
0xb7: {  	v2 =	vld [tilespmem:$0x40];
	_ =	sdelay $0x4  }
0xb8: {  	v3 =	vld [tilespmem:$0x240];
	v2 =	vmul.f32 v2, v0;
	_ =	sdelay $0x1  }
0xb9: {  	v8 =	vtrunc.f32 v2  }
0xba: {  	v4 =	vcvt.f32.s32 v8;
	_ =	sdelay $0x1  }
0xbb: {  	v3 =	vshll.u32 v3, $0xA;
	v9 =	vcvt.s32.f32 v4  }
0xbc: {  	v3 =	vadd.s32 v4, v3  }
0xbd: {  	v4 =	vadd.s32 $0x1, v3;
	v2 =	vsub.f32 v2, v9;
	_ =	sdelay $0x1  }
0xbe: {  	v5 =	vsub.f32 $1.000000000e+00, v2;
	_ =	sdelay $0x1  }
0xbf: {  	[tilespmem:v3+s9+$0x0] =	vst.idx.add.f32.msk $0xffff, v5  }
0xc0: {  	[tilespmem:v4+s9+$0x0] =	vst.idx.add.f32.msk $0xffff, v2  }
0xc1: {  	v2 =	vld [tilespmem:$0x50];
	_ =	sdelay $0x4  }
0xc2: {  	v3 =	vld [tilespmem:$0x250];
	v2 =	vmul.f32 v2, v0;
	_ =	sdelay $0x1  }
0xc3: {  	v10 =	vtrunc.f32 v2  }
0xc4: {  	v4 =	vcvt.f32.s32 v10;
	_ =	sdelay $0x1  }
0xc5: {  	v3 =	vshll.u32 v3, $0xA;
	v11 =	vcvt.s32.f32 v4  }
0xc6: {  	v3 =	vadd.s32 v4, v3  }
0xc7: {  	v4 =	vadd.s32 $0x1, v3;
	v2 =	vsub.f32 v2, v11;
	_ =	sdelay $0x1  }
0xc8: {  	v5 =	vsub.f32 $1.000000000e+00, v2;
	_ =	sdelay $0x1  }
0xc9: {  	[tilespmem:v3+s9+$0x0] =	vst.idx.add.f32.msk $0xffff, v5  }
0xca: {  	[tilespmem:v4+s9+$0x0] =	vst.idx.add.f32.msk $0xffff, v2  }
0xcb: {  	v2 =	vld [tilespmem:$0x60];
	_ =	sdelay $0x4  }
0xcc: {  	v3 =	vld [tilespmem:$0x260];
	v2 =	vmul.f32 v2, v0;
	_ =	sdelay $0x1  }
0xcd: {  	v12 =	vtrunc.f32 v2  }
0xce: {  	v4 =	vcvt.f32.s32 v12;
	_ =	sdelay $0x1  }
0xcf: {  	v3 =	vshll.u32 v3, $0xA;
	v13 =	vcvt.s32.f32 v4  }
0xd0: {  	v3 =	vadd.s32 v4, v3  }
0xd1: {  	v4 =	vadd.s32 $0x1, v3;
	v2 =	vsub.f32 v2, v13;
	_ =	sdelay $0x1  }
0xd2: {  	v5 =	vsub.f32 $1.000000000e+00, v2;
	_ =	sdelay $0x1  }
0xd3: {  	[tilespmem:v3+s9+$0x0] =	vst.idx.add.f32.msk $0xffff, v5  }
0xd4: {  	[tilespmem:v4+s9+$0x0] =	vst.idx.add.f32.msk $0xffff, v2  }
0xd5: {  	v2 =	vld [tilespmem:$0x70];
	_ =	sdelay $0x4  }
0xd6: {  	v3 =	vld [tilespmem:$0x270];
	v2 =	vmul.f32 v2, v0;
	_ =	sdelay $0x1  }
0xd7: {  	v14 =	vtrunc.f32 v2  }
0xd8: {  	v4 =	vcvt.f32.s32 v14;
	_ =	sdelay $0x1  }
0xd9: {  	v3 =	vshll.u32 v3, $0xA;
	v15 =	vcvt.s32.f32 v4  }
0xda: {  	v3 =	vadd.s32 v4, v3  }
0xdb: {  	v4 =	vadd.s32 $0x1, v3;
	v2 =	vsub.f32 v2, v15;
	_ =	sdelay $0x1  }
0xdc: {  	v5 =	vsub.f32 $1.000000000e+00, v2;
	_ =	sdelay $0x1  }
0xdd: {  	[tilespmem:v3+s9+$0x0] =	vst.idx.add.f32.msk $0xffff, v5  }
0xde: {  	[tilespmem:v4+s9+$0x0] =	vst.idx.add.f32.msk $0xffff, v2  }
0xdf: {  	v2 =	vld [tilespmem:$0x80];
	_ =	sdelay $0x4  }
0xe0: {  	v3 =	vld [tilespmem:$0x280];
	v2 =	vmul.f32 v2, v0;
	_ =	sdelay $0x1  }
0xe1: {  	v16 =	vtrunc.f32 v2  }
0xe2: {  	v4 =	vcvt.f32.s32 v16;
	_ =	sdelay $0x1  }
0xe3: {  	v3 =	vshll.u32 v3, $0xA;
	v17 =	vcvt.s32.f32 v4  }
0xe4: {  	v3 =	vadd.s32 v4, v3  }
0xe5: {  	v4 =	vadd.s32 $0x1, v3;
	v2 =	vsub.f32 v2, v17;
	_ =	sdelay $0x1  }
0xe6: {  	v5 =	vsub.f32 $1.000000000e+00, v2;
	_ =	sdelay $0x1  }
0xe7: {  	[tilespmem:v3+s9+$0x0] =	vst.idx.add.f32.msk $0xffff, v5  }
0xe8: {  	[tilespmem:v4+s9+$0x0] =	vst.idx.add.f32.msk $0xffff, v2  }
0xe9: {  	v2 =	vld [tilespmem:$0x90];
	_ =	sdelay $0x4  }
0xea: {  	v3 =	vld [tilespmem:$0x290];
	v2 =	vmul.f32 v2, v0;
	_ =	sdelay $0x1  }
0xeb: {  	v18 =	vtrunc.f32 v2  }
0xec: {  	v4 =	vcvt.f32.s32 v18;
	_ =	sdelay $0x1  }
0xed: {  	v3 =	vshll.u32 v3, $0xA;
	v19 =	vcvt.s32.f32 v4  }
0xee: {  	v3 =	vadd.s32 v4, v3  }
0xef: {  	v4 =	vadd.s32 $0x1, v3;
	v2 =	vsub.f32 v2, v19;
	_ =	sdelay $0x1  }
0xf0: {  	v5 =	vsub.f32 $1.000000000e+00, v2;
	_ =	sdelay $0x1  }
0xf1: {  	[tilespmem:v3+s9+$0x0] =	vst.idx.add.f32.msk $0xffff, v5  }
0xf2: {  	[tilespmem:v4+s9+$0x0] =	vst.idx.add.f32.msk $0xffff, v2  }
0xf3: {  	v2 =	vld [tilespmem:$0xA0];
	_ =	sdelay $0x4  }
0xf4: {  	v3 =	vld [tilespmem:$0x2A0];
	v2 =	vmul.f32 v2, v0;
	_ =	sdelay $0x1  }
0xf5: {  	v20 =	vtrunc.f32 v2  }
0xf6: {  	v4 =	vcvt.f32.s32 v20;
	_ =	sdelay $0x1  }
0xf7: {  	v3 =	vshll.u32 v3, $0xA;
	v21 =	vcvt.s32.f32 v4  }
0xf8: {  	v3 =	vadd.s32 v4, v3  }
0xf9: {  	v4 =	vadd.s32 $0x1, v3;
	v2 =	vsub.f32 v2, v21;
	_ =	sdelay $0x1  }
0xfa: {  	v5 =	vsub.f32 $1.000000000e+00, v2;
	_ =	sdelay $0x1  }
0xfb: {  	[tilespmem:v3+s9+$0x0] =	vst.idx.add.f32.msk $0xffff, v5  }
0xfc: {  	[tilespmem:v4+s9+$0x0] =	vst.idx.add.f32.msk $0xffff, v2  }
0xfd: {  	v2 =	vld [tilespmem:$0xB0];
	_ =	sdelay $0x4  }
0xfe: {  	v3 =	vld [tilespmem:$0x2B0];
	v2 =	vmul.f32 v2, v0;
	_ =	sdelay $0x1  }
0xff: {  	v22 =	vtrunc.f32 v2  }
0x100: {  	v4 =	vcvt.f32.s32 v22;
	_ =	sdelay $0x1  }
0x101: {  	v3 =	vshll.u32 v3, $0xA;
	v23 =	vcvt.s32.f32 v4  }
0x102: {  	v3 =	vadd.s32 v4, v3  }
0x103: {  	v4 =	vadd.s32 $0x1, v3;
	v2 =	vsub.f32 v2, v23;
	_ =	sdelay $0x1  }
0x104: {  	v5 =	vsub.f32 $1.000000000e+00, v2;
	_ =	sdelay $0x1  }
0x105: {  	[tilespmem:v3+s9+$0x0] =	vst.idx.add.f32.msk $0xffff, v5  }
0x106: {  	[tilespmem:v4+s9+$0x0] =	vst.idx.add.f32.msk $0xffff, v2  }
0x107: {  	v2 =	vld [tilespmem:$0xC0];
	_ =	sdelay $0x4  }
0x108: {  	v3 =	vld [tilespmem:$0x2C0];
	v2 =	vmul.f32 v2, v0;
	_ =	sdelay $0x1  }
0x109: {  	v24 =	vtrunc.f32 v2  }
0x10a: {  	v4 =	vcvt.f32.s32 v24;
	_ =	sdelay $0x1  }
0x10b: {  	v3 =	vshll.u32 v3, $0xA;
	v25 =	vcvt.s32.f32 v4  }
0x10c: {  	v3 =	vadd.s32 v4, v3  }
0x10d: {  	v4 =	vadd.s32 $0x1, v3;
	v2 =	vsub.f32 v2, v25;
	_ =	sdelay $0x1  }
0x10e: {  	v5 =	vsub.f32 $1.000000000e+00, v2;
	_ =	sdelay $0x1  }
0x10f: {  	[tilespmem:v3+s9+$0x0] =	vst.idx.add.f32.msk $0xffff, v5  }
0x110: {  	[tilespmem:v4+s9+$0x0] =	vst.idx.add.f32.msk $0xffff, v2  }
0x111: {  	v2 =	vld [tilespmem:$0xD0];
	_ =	sdelay $0x4  }
0x112: {  	v3 =	vld [tilespmem:$0x2D0];
	v2 =	vmul.f32 v2, v0;
	_ =	sdelay $0x1  }
0x113: {  	v26 =	vtrunc.f32 v2  }
0x114: {  	v4 =	vcvt.f32.s32 v26;
	_ =	sdelay $0x1  }
0x115: {  	v3 =	vshll.u32 v3, $0xA;
	v27 =	vcvt.s32.f32 v4  }
0x116: {  	v3 =	vadd.s32 v4, v3  }
0x117: {  	v4 =	vadd.s32 $0x1, v3;
	v2 =	vsub.f32 v2, v27;
	_ =	sdelay $0x1  }
0x118: {  	v5 =	vsub.f32 $1.000000000e+00, v2;
	_ =	sdelay $0x1  }
0x119: {  	[tilespmem:v3+s9+$0x0] =	vst.idx.add.f32.msk $0xffff, v5  }
0x11a: {  	[tilespmem:v4+s9+$0x0] =	vst.idx.add.f32.msk $0xffff, v2  }
0x11b: {  	v2 =	vld [tilespmem:$0xE0];
	_ =	sdelay $0x4  }
0x11c: {  	v3 =	vld [tilespmem:$0x2E0];
	v2 =	vmul.f32 v2, v0;
	_ =	sdelay $0x1  }
0x11d: {  	v28 =	vtrunc.f32 v2  }
0x11e: {  	v4 =	vcvt.f32.s32 v28;
	_ =	sdelay $0x1  }
0x11f: {  	v3 =	vshll.u32 v3, $0xA;
	v29 =	vcvt.s32.f32 v4  }
0x120: {  	v3 =	vadd.s32 v4, v3  }
0x121: {  	v4 =	vadd.s32 $0x1, v3;
	v2 =	vsub.f32 v2, v29;
	_ =	sdelay $0x1  }
0x122: {  	v5 =	vsub.f32 $1.000000000e+00, v2;
	_ =	sdelay $0x1  }
0x123: {  	[tilespmem:v3+s9+$0x0] =	vst.idx.add.f32.msk $0xffff, v5  }
0x124: {  	[tilespmem:v4+s9+$0x0] =	vst.idx.add.f32.msk $0xffff, v2  }
0x125: {  	v2 =	vld [tilespmem:$0xF0];
	_ =	sdelay $0x4  }
0x126: {  	v3 =	vld [tilespmem:$0x2F0];
	v2 =	vmul.f32 v2, v0;
	_ =	sdelay $0x1  }
0x127: {  	v30 =	vtrunc.f32 v2  }
0x128: {  	v4 =	vcvt.f32.s32 v30;
	_ =	sdelay $0x1  }
0x129: {  	v3 =	vshll.u32 v3, $0xA;
	v31 =	vcvt.s32.f32 v4  }
0x12a: {  	v3 =	vadd.s32 v4, v3  }
0x12b: {  	v4 =	vadd.s32 $0x1, v3;
	v2 =	vsub.f32 v2, v31;
	_ =	sdelay $0x1  }
0x12c: {  	v5 =	vsub.f32 $1.000000000e+00, v2;
	_ =	sdelay $0x1  }
0x12d: {  	[tilespmem:v3+s9+$0x0] =	vst.idx.add.f32.msk $0xffff, v5  }
0x12e: {  	[tilespmem:v4+s9+$0x0] =	vst.idx.add.f32.msk $0xffff, v2  }
0x12f: {  	v2 =	vld [tilespmem:$0x100];
	_ =	sdelay $0x4  }
0x130: {  	v3 =	vld [tilespmem:$0x300];
	v2 =	vmul.f32 v2, v0;
	_ =	sdelay $0x1  }
0x131: {  	v32 =	vtrunc.f32 v2  }
0x132: {  	v4 =	vcvt.f32.s32 v32;
	_ =	sdelay $0x1  }
0x133: {  	v3 =	vshll.u32 v3, $0xA;
	v33 =	vcvt.s32.f32 v4  }
0x134: {  	v3 =	vadd.s32 v4, v3  }
0x135: {  	v4 =	vadd.s32 $0x1, v3;
	v2 =	vsub.f32 v2, v33;
	_ =	sdelay $0x1  }
0x136: {  	v5 =	vsub.f32 $1.000000000e+00, v2;
	_ =	sdelay $0x1  }
0x137: {  	[tilespmem:v3+s9+$0x0] =	vst.idx.add.f32.msk $0xffff, v5  }
0x138: {  	[tilespmem:v4+s9+$0x0] =	vst.idx.add.f32.msk $0xffff, v2  }
0x139: {  	v2 =	vld [tilespmem:$0x110];
	_ =	sdelay $0x4  }
0x13a: {  	v3 =	vld [tilespmem:$0x310];
	v2 =	vmul.f32 v2, v0;
	_ =	sdelay $0x1  }
0x13b: {  	v34 =	vtrunc.f32 v2  }
0x13c: {  	v4 =	vcvt.f32.s32 v34;
	_ =	sdelay $0x1  }
0x13d: {  	v3 =	vshll.u32 v3, $0xA;
	v35 =	vcvt.s32.f32 v4  }
0x13e: {  	v3 =	vadd.s32 v4, v3  }
0x13f: {  	v4 =	vadd.s32 $0x1, v3;
	v2 =	vsub.f32 v2, v35;
	_ =	sdelay $0x1  }
0x140: {  	v5 =	vsub.f32 $1.000000000e+00, v2;
	_ =	sdelay $0x1  }
0x141: {  	[tilespmem:v3+s9+$0x0] =	vst.idx.add.f32.msk $0xffff, v5  }
0x142: {  	[tilespmem:v4+s9+$0x0] =	vst.idx.add.f32.msk $0xffff, v2  }
0x143: {  	v2 =	vld [tilespmem:$0x120];
	_ =	sdelay $0x4  }
0x144: {  	v3 =	vld [tilespmem:$0x320];
	v2 =	vmul.f32 v2, v0;
	_ =	sdelay $0x1  }
0x145: {  	v36 =	vtrunc.f32 v2  }
0x146: {  	v4 =	vcvt.f32.s32 v36;
	_ =	sdelay $0x1  }
0x147: {  	v3 =	vshll.u32 v3, $0xA;
	v37 =	vcvt.s32.f32 v4  }
0x148: {  	v3 =	vadd.s32 v4, v3  }
0x149: {  	v4 =	vadd.s32 $0x1, v3;
	v2 =	vsub.f32 v2, v37;
	_ =	sdelay $0x1  }
0x14a: {  	v5 =	vsub.f32 $1.000000000e+00, v2;
	_ =	sdelay $0x1  }
0x14b: {  	[tilespmem:v3+s9+$0x0] =	vst.idx.add.f32.msk $0xffff, v5  }
0x14c: {  	[tilespmem:v4+s9+$0x0] =	vst.idx.add.f32.msk $0xffff, v2  }
0x14d: {  	v2 =	vld [tilespmem:$0x130];
	_ =	sdelay $0x4  }
0x14e: {  	v3 =	vld [tilespmem:$0x330];
	v2 =	vmul.f32 v2, v0;
	_ =	sdelay $0x1  }
0x14f: {  	v38 =	vtrunc.f32 v2  }
0x150: {  	v4 =	vcvt.f32.s32 v38;
	_ =	sdelay $0x1  }
0x151: {  	v3 =	vshll.u32 v3, $0xA;
	v39 =	vcvt.s32.f32 v4  }
0x152: {  	v3 =	vadd.s32 v4, v3  }
0x153: {  	v4 =	vadd.s32 $0x1, v3;
	v2 =	vsub.f32 v2, v39;
	_ =	sdelay $0x1  }
0x154: {  	v5 =	vsub.f32 $1.000000000e+00, v2;
	_ =	sdelay $0x1  }
0x155: {  	[tilespmem:v3+s9+$0x0] =	vst.idx.add.f32.msk $0xffff, v5  }
0x156: {  	[tilespmem:v4+s9+$0x0] =	vst.idx.add.f32.msk $0xffff, v2  }
0x157: {  	v2 =	vld [tilespmem:$0x140];
	_ =	sdelay $0x4  }
0x158: {  	v3 =	vld [tilespmem:$0x340];
	v2 =	vmul.f32 v2, v0;
	_ =	sdelay $0x1  }
0x159: {  	v40 =	vtrunc.f32 v2  }
0x15a: {  	v4 =	vcvt.f32.s32 v40;
	_ =	sdelay $0x1  }
0x15b: {  	v3 =	vshll.u32 v3, $0xA;
	v41 =	vcvt.s32.f32 v4  }
0x15c: {  	v3 =	vadd.s32 v4, v3  }
0x15d: {  	v4 =	vadd.s32 $0x1, v3;
	v2 =	vsub.f32 v2, v41;
	_ =	sdelay $0x1  }
0x15e: {  	v5 =	vsub.f32 $1.000000000e+00, v2;
	_ =	sdelay $0x1  }
0x15f: {  	[tilespmem:v3+s9+$0x0] =	vst.idx.add.f32.msk $0xffff, v5  }
0x160: {  	[tilespmem:v4+s9+$0x0] =	vst.idx.add.f32.msk $0xffff, v2  }
0x161: {  	v2 =	vld [tilespmem:$0x150];
	_ =	sdelay $0x4  }
0x162: {  	v3 =	vld [tilespmem:$0x350];
	v2 =	vmul.f32 v2, v0;
	_ =	sdelay $0x1  }
0x163: {  	v42 =	vtrunc.f32 v2  }
0x164: {  	v4 =	vcvt.f32.s32 v42;
	_ =	sdelay $0x1  }
0x165: {  	v3 =	vshll.u32 v3, $0xA;
	v43 =	vcvt.s32.f32 v4  }
0x166: {  	v3 =	vadd.s32 v4, v3  }
0x167: {  	v4 =	vadd.s32 $0x1, v3;
	v2 =	vsub.f32 v2, v43;
	_ =	sdelay $0x1  }
0x168: {  	v5 =	vsub.f32 $1.000000000e+00, v2;
	_ =	sdelay $0x1  }
0x169: {  	[tilespmem:v3+s9+$0x0] =	vst.idx.add.f32.msk $0xffff, v5  }
0x16a: {  	[tilespmem:v4+s9+$0x0] =	vst.idx.add.f32.msk $0xffff, v2  }
0x16b: {  	v2 =	vld [tilespmem:$0x160];
	_ =	sdelay $0x4  }
0x16c: {  	v3 =	vld [tilespmem:$0x360];
	v2 =	vmul.f32 v2, v0;
	_ =	sdelay $0x1  }
0x16d: {  	v44 =	vtrunc.f32 v2  }
0x16e: {  	v4 =	vcvt.f32.s32 v44;
	_ =	sdelay $0x1  }
0x16f: {  	v3 =	vshll.u32 v3, $0xA;
	v45 =	vcvt.s32.f32 v4  }
0x170: {  	v3 =	vadd.s32 v4, v3  }
0x171: {  	v4 =	vadd.s32 $0x1, v3;
	v2 =	vsub.f32 v2, v45;
	_ =	sdelay $0x1  }
0x172: {  	v5 =	vsub.f32 $1.000000000e+00, v2;
	_ =	sdelay $0x1  }
0x173: {  	[tilespmem:v3+s9+$0x0] =	vst.idx.add.f32.msk $0xffff, v5  }
0x174: {  	[tilespmem:v4+s9+$0x0] =	vst.idx.add.f32.msk $0xffff, v2  }
0x175: {  	v2 =	vld [tilespmem:$0x170];
	_ =	sdelay $0x4  }
0x176: {  	v3 =	vld [tilespmem:$0x370];
	v2 =	vmul.f32 v2, v0;
	_ =	sdelay $0x1  }
0x177: {  	v46 =	vtrunc.f32 v2  }
0x178: {  	v4 =	vcvt.f32.s32 v46;
	_ =	sdelay $0x1  }
0x179: {  	v3 =	vshll.u32 v3, $0xA;
	v47 =	vcvt.s32.f32 v4  }
0x17a: {  	v3 =	vadd.s32 v4, v3  }
0x17b: {  	v4 =	vadd.s32 $0x1, v3;
	v2 =	vsub.f32 v2, v47;
	_ =	sdelay $0x1  }
0x17c: {  	v5 =	vsub.f32 $1.000000000e+00, v2;
	_ =	sdelay $0x1  }
0x17d: {  	[tilespmem:v3+s9+$0x0] =	vst.idx.add.f32.msk $0xffff, v5  }
0x17e: {  	[tilespmem:v4+s9+$0x0] =	vst.idx.add.f32.msk $0xffff, v2  }
0x17f: {  	v2 =	vld [tilespmem:$0x180];
	_ =	sdelay $0x4  }
0x180: {  	v3 =	vld [tilespmem:$0x380];
	v2 =	vmul.f32 v2, v0;
	_ =	sdelay $0x1  }
0x181: {  	v48 =	vtrunc.f32 v2  }
0x182: {  	v4 =	vcvt.f32.s32 v48;
	_ =	sdelay $0x1  }
0x183: {  	v3 =	vshll.u32 v3, $0xA;
	v49 =	vcvt.s32.f32 v4  }
0x184: {  	v3 =	vadd.s32 v4, v3  }
0x185: {  	v4 =	vadd.s32 $0x1, v3;
	v2 =	vsub.f32 v2, v49;
	_ =	sdelay $0x1  }
0x186: {  	v5 =	vsub.f32 $1.000000000e+00, v2;
	_ =	sdelay $0x1  }
0x187: {  	[tilespmem:v3+s9+$0x0] =	vst.idx.add.f32.msk $0xffff, v5  }
0x188: {  	[tilespmem:v4+s9+$0x0] =	vst.idx.add.f32.msk $0xffff, v2  }
0x189: {  	v2 =	vld [tilespmem:$0x190];
	_ =	sdelay $0x4  }
0x18a: {  	v3 =	vld [tilespmem:$0x390];
	v2 =	vmul.f32 v2, v0;
	_ =	sdelay $0x1  }
0x18b: {  	v50 =	vtrunc.f32 v2  }
0x18c: {  	v4 =	vcvt.f32.s32 v50;
	_ =	sdelay $0x1  }
0x18d: {  	v3 =	vshll.u32 v3, $0xA;
	v51 =	vcvt.s32.f32 v4  }
0x18e: {  	v3 =	vadd.s32 v4, v3  }
0x18f: {  	v4 =	vadd.s32 $0x1, v3;
	v2 =	vsub.f32 v2, v51;
	_ =	sdelay $0x1  }
0x190: {  	v5 =	vsub.f32 $1.000000000e+00, v2;
	_ =	sdelay $0x1  }
0x191: {  	[tilespmem:v3+s9+$0x0] =	vst.idx.add.f32.msk $0xffff, v5  }
0x192: {  	[tilespmem:v4+s9+$0x0] =	vst.idx.add.f32.msk $0xffff, v2  }
0x193: {  	v2 =	vld [tilespmem:$0x1A0];
	_ =	sdelay $0x4  }
0x194: {  	v3 =	vld [tilespmem:$0x3A0];
	v2 =	vmul.f32 v2, v0;
	_ =	sdelay $0x1  }
0x195: {  	v52 =	vtrunc.f32 v2  }
0x196: {  	v4 =	vcvt.f32.s32 v52;
	_ =	sdelay $0x1  }
0x197: {  	v3 =	vshll.u32 v3, $0xA;
	v53 =	vcvt.s32.f32 v4  }
0x198: {  	v3 =	vadd.s32 v4, v3  }
0x199: {  	v4 =	vadd.s32 $0x1, v3;
	v2 =	vsub.f32 v2, v53;
	_ =	sdelay $0x1  }
0x19a: {  	v5 =	vsub.f32 $1.000000000e+00, v2;
	_ =	sdelay $0x1  }
0x19b: {  	[tilespmem:v3+s9+$0x0] =	vst.idx.add.f32.msk $0xffff, v5  }
0x19c: {  	[tilespmem:v4+s9+$0x0] =	vst.idx.add.f32.msk $0xffff, v2  }
0x19d: {  	v2 =	vld [tilespmem:$0x1B0];
	_ =	sdelay $0x4  }
0x19e: {  	v3 =	vld [tilespmem:$0x3B0];
	v2 =	vmul.f32 v2, v0;
	_ =	sdelay $0x1  }
0x19f: {  	v54 =	vtrunc.f32 v2  }
0x1a0: {  	v4 =	vcvt.f32.s32 v54;
	_ =	sdelay $0x1  }
0x1a1: {  	v3 =	vshll.u32 v3, $0xA;
	v55 =	vcvt.s32.f32 v4  }
0x1a2: {  	v3 =	vadd.s32 v4, v3  }
0x1a3: {  	v4 =	vadd.s32 $0x1, v3;
	v2 =	vsub.f32 v2, v55;
	_ =	sdelay $0x1  }
0x1a4: {  	v5 =	vsub.f32 $1.000000000e+00, v2;
	_ =	sdelay $0x1  }
0x1a5: {  	[tilespmem:v3+s9+$0x0] =	vst.idx.add.f32.msk $0xffff, v5  }
0x1a6: {  	[tilespmem:v4+s9+$0x0] =	vst.idx.add.f32.msk $0xffff, v2  }
0x1a7: {  	v2 =	vld [tilespmem:$0x1C0];
	_ =	sdelay $0x4  }
0x1a8: {  	v3 =	vld [tilespmem:$0x3C0];
	v2 =	vmul.f32 v2, v0;
	_ =	sdelay $0x1  }
0x1a9: {  	v56 =	vtrunc.f32 v2  }
0x1aa: {  	v4 =	vcvt.f32.s32 v56;
	_ =	sdelay $0x1  }
0x1ab: {  	v3 =	vshll.u32 v3, $0xA;
	v57 =	vcvt.s32.f32 v4  }
0x1ac: {  	v3 =	vadd.s32 v4, v3  }
0x1ad: {  	v4 =	vadd.s32 $0x1, v3;
	v2 =	vsub.f32 v2, v57;
	_ =	sdelay $0x1  }
0x1ae: {  	v5 =	vsub.f32 $1.000000000e+00, v2;
	_ =	sdelay $0x1  }
0x1af: {  	[tilespmem:v3+s9+$0x0] =	vst.idx.add.f32.msk $0xffff, v5  }
0x1b0: {  	[tilespmem:v4+s9+$0x0] =	vst.idx.add.f32.msk $0xffff, v2  }
0x1b1: {  	v2 =	vld [tilespmem:$0x1D0];
	_ =	sdelay $0x4  }
0x1b2: {  	v3 =	vld [tilespmem:$0x3D0];
	v2 =	vmul.f32 v2, v0;
	_ =	sdelay $0x1  }
0x1b3: {  	v58 =	vtrunc.f32 v2  }
0x1b4: {  	v4 =	vcvt.f32.s32 v58;
	_ =	sdelay $0x1  }
0x1b5: {  	v3 =	vshll.u32 v3, $0xA;
	v59 =	vcvt.s32.f32 v4  }
0x1b6: {  	v3 =	vadd.s32 v4, v3  }
0x1b7: {  	v4 =	vadd.s32 $0x1, v3;
	v2 =	vsub.f32 v2, v59;
	_ =	sdelay $0x1  }
0x1b8: {  	v5 =	vsub.f32 $1.000000000e+00, v2;
	_ =	sdelay $0x1  }
0x1b9: {  	[tilespmem:v3+s9+$0x0] =	vst.idx.add.f32.msk $0xffff, v5  }
0x1ba: {  	[tilespmem:v4+s9+$0x0] =	vst.idx.add.f32.msk $0xffff, v2  }
0x1bb: {  	v2 =	vld [tilespmem:$0x1E0];
	_ =	sdelay $0x4  }
0x1bc: {  	v3 =	vld [tilespmem:$0x3E0];
	v2 =	vmul.f32 v2, v0;
	_ =	sdelay $0x1  }
0x1bd: {  	v60 =	vtrunc.f32 v2  }
0x1be: {  	v4 =	vcvt.f32.s32 v60;
	_ =	sdelay $0x1  }
0x1bf: {  	v3 =	vshll.u32 v3, $0xA;
	v61 =	vcvt.s32.f32 v4  }
0x1c0: {  	v3 =	vadd.s32 v4, v3  }
0x1c1: {  	v4 =	vadd.s32 $0x1, v3;
	v2 =	vsub.f32 v2, v61;
	_ =	sdelay $0x1  }
0x1c2: {  	v5 =	vsub.f32 $1.000000000e+00, v2;
	_ =	sdelay $0x1  }
0x1c3: {  	[tilespmem:v3+s9+$0x0] =	vst.idx.add.f32.msk $0xffff, v5  }
0x1c4: {  	[tilespmem:v4+s9+$0x0] =	vst.idx.add.f32.msk $0xffff, v2  }
0x1c5: {  	v2 =	vld [tilespmem:$0x1F0];
	_ =	sdelay $0x4  }
0x1c6: {  	v3 =	vld [tilespmem:$0x3F0];
	v2 =	vmul.f32 v2, v0;
	_ =	sdelay $0x1  }
0x1c7: {  	v62 =	vtrunc.f32 v2  }
0x1c8: {  	v4 =	vcvt.f32.s32 v62;
	_ =	sdelay $0x1  }
0x1c9: {  	v3 =	vshll.u32 v3, $0xA;
	v63 =	vcvt.s32.f32 v4  }
0x1ca: {  	v3 =	vadd.s32 v4, v3  }
0x1cb: {  	v4 =	vadd.s32 $0x1, v3;
	v2 =	vsub.f32 v2, v63;
	_ =	sdelay $0x1  }
0x1cc: {  	v5 =	vsub.f32 $1.000000000e+00, v2;
	_ =	sdelay $0x1  }
0x1cd: {  	p0 =	sne.s32 s6, $0x1;
	[tilespmem:v3+s9+$0x0] =	vst.idx.add.f32.msk $0xffff, v5  }
.Ltmp0:
0x1ce: {  	[tilespmem:v4+s9+$0x0] =	vst.idx.add.f32.msk $0xffff, v2;
	(pc) =	sbr.rel @p0 .LBB2_1-.Ltmp0, $4  }
0x1cf: {  	[hbm4b:s5+s10] =	stream.strided.scatter [tilespmem:s9], [sflag:$0x1], $0x800, s9, s10, $0x38;
	[tilespmem:$0xC00] =	vst v63  }
0x1d0: {  	_ =	swait.ge [sflag:s7], $0x800  }
0x1d1: {  	[sflag:s7] =	ssyncset.done $0x0  }
0x1d2: {  	s6 =	sadd.s32 $0xFFFFFFFF, s6;
	[sflag:s7] =	ssyncadd.s32 $0xFFFFF800  }
0x1d3: {  	_ =	sfence.sel $0x180000  }
0x1d4: {  	[bflag:$0x0] =	sbarrier.arrive $0xFFFF  }
0x1d5: {  	p0 =	sne.s32 s2, $0x0;
	_ =	strace $0x90000047  }
0x1d6: {  	s0 =	sadd.s32 @!p0 $0x100000, s0;
	[bflag:$0x2] =	sbarrier.arrive $0xFFFF  }
0x1d7: {  	[sflag:s0] =	ssyncadd.tile.s32 @!p0 $0x1;
	_ =	shalt  }
.Lfunc_end2:
_tile_overlayer_lowered:
.L_overlay_start_2:
0x1d8: {  	(tag) =	ssettag $0x2  }
0x1d9: {  	s0 =	rddreg [dreg:$0x0];
	s2 =	stileid.u32  }
0x1da: {  	s1 =	rddreg [dreg:$0x1];
	p0 =	sne.s32 s2, $0x0  }
0x1db: {  	s3 =	rddreg [dreg:$0x2];
	[bflag:$0x3] =	sbarrier.arrive $0xFFFF;
	s2 =	simm.s32 @!p0 $0x1C01  }
0x1dc: {  	[timem:s3], [sflag:s2] =	dma.local @!p0 [hbm:s0], s1  }
0x1dd: {  	s0 =	simm.s32 @!p0 $0x1  }
0x1de: {  	_ =	swait.ge @!p0 [sflag:s0], s1  }
0x1df: {  	s1 =	ssub.s32 @!p0 $0x0, s1;
	[sflag:s0] =	ssyncset.done @!p0 $0x0  }
0x1e0: {  	[sflag:s0] =	ssyncadd.s32 @!p0 s1  }
0x1e1: {  	[bflag:$0x3] =	sbarrier.arrive $0xFFFF  }
0x1e2: {  	_ =	shalt  }

</sc_bundles>
